<compile_context>
chip_gen: v7x
topology: tpu7x:2x2x1
jax: 0.10.2.dev20260603
libtpu: 0.0.44.dev20260713+nightly
codegen_flags: <defaults>
</compile_context>

<pallas_src>
import functools

import jax
import jax.numpy as jnp
from jax import lax
from jax.experimental import pallas as pl
from jax.experimental.pallas import tpu as pltpu
from jax.experimental.pallas import tpu_sc as plsc

NC = 2
NS = 16
NW = NC * NS

D = 64
L = 16


@functools.cache
def _build(N, S, V):
    NB = N // 128
    nb_per_w = NB // NW
    n_units = S * nb_per_w
    assert n_units % 2 == 0
    mesh = plsc.VectorSubcoreMesh(
        core_axis_name="c", subcore_axis_name="s",
        num_cores=NC, num_subcores=NS)

    @functools.partial(
        pl.kernel,
        out_type=jax.ShapeDtypeStruct((S, 8, NB, 8, 128), jnp.float32),
        mesh=mesh,
        scratch_types=[
            pltpu.VMEM((S, NW * nb_per_w * 128 // NW), jnp.int32),
            pltpu.VMEM((128, D), jnp.float32),
            pltpu.VMEM((128, D), jnp.float32),
            pltpu.VMEM((8, 8, 133), jnp.float32),
            pltpu.VMEM((8, 8, 133), jnp.float32),
            pltpu.SemaphoreType.DMA,
            pltpu.SemaphoreType.DMA,
            pltpu.SemaphoreType.DMA,
            pltpu.SemaphoreType.DMA,
        ],
        compiler_params=pltpu.CompilerParams(use_tc_tiling_on_sc=False,
                                             needs_layout_passes=False),
    )
    def k(idx_hbm, table_hbm, out_hbm, idx_v, rows0, rows1, ob0, ob1,
          gsem0, gsem1, osem0, osem1):
        wid = lax.axis_index("s") * NC + lax.axis_index("c")
        n_per_w = nb_per_w * 128
        nbase = pl.multiple_of(wid * n_per_w, n_per_w)
        nb0 = wid * nb_per_w
        rows = (rows0, rows1)
        obuf = (ob0, ob1)
        gsem = (gsem0, gsem1)
        osem = (osem0, osem1)

        pltpu.sync_copy(idx_hbm.at[:, pl.ds(nbase, n_per_w)], idx_v)

        def unit(u):
            return u // nb_per_w, u % nb_per_w

        def gather(u, b):
            s, j = unit(u)
            return pltpu.make_async_copy(
                table_hbm.at[idx_v.at[s, pl.ds(pl.multiple_of(j * 128, 128),
                                               128)]],
                rows[b], gsem[b])

        def out_copy(u, b):
            s, j = unit(u)
            return pltpu.make_async_copy(obuf[b].at[:, :, pl.ds(0, 128)],
                                         out_hbm.at[s].at[:, nb0 + j],
                                         osem[b])

        lane = jnp.arange(L, dtype=jnp.int32)
        didx = [((q * L + lane) // 8, (q * L + lane) % 8) for q in range(4)]

        def transpose(rbuf, tbuf):
            @plsc.parallel_loop(0, 128, unroll=8)
            def _(i):
                ci = jnp.full((L,), i, dtype=jnp.int32)
                for q in range(4):
                    v = rbuf[i, pl.ds(pl.multiple_of(q * L, L), L)]
                    plsc.store_scatter(tbuf, [didx[q][0], didx[q][1], ci], v)

        gather(0, 0).start()

        @pl.loop(0, n_units, step=2)
        def _(c):
            for b in (0, 1):
                u = c + b

                @pl.when(u + 1 < n_units)
                def _():
                    gather(u + 1, 1 - b).start()

                gather(u, b).wait()

                @pl.when(u >= 2)
                def _():
                    out_copy(u - 2, b).wait()

                transpose(rows[b], obuf[b])
                out_copy(u, b).start()

        out_copy(n_units - 2, 0).wait()
        out_copy(n_units - 1, 1).wait()

    return k


def kernel(tokens, w_e):
    n, s = tokens.shape
    out5 = _build(n, s, w_e.shape[0])(tokens.astype(jnp.int32).T, w_e)
    return out5.transpose(2, 4, 0, 1, 3).reshape(n, s, D)

# --- scband reference (transcript-rebuilt; emitter-appended) ---
"""Pipeline reference for scband-embed-29583734734987 (READ-ONLY COPY).

The authoritative reference and input builder live on the scoring server;
editing this copy changes nothing except your own understanding.
"""

import jax, jax.numpy as jnp
import numpy as np

D_VOCAB = 1000000
D_MODEL = 64
INIT_RANGE = 0.02

def setup_inputs(seed: int = 0) -> dict:
    key = jax.random.key(seed)
    k_tok, k_w = jax.random.split(key)
    tokens = jax.random.randint(k_tok, (16384, 50), 0, D_VOCAB, dtype=jnp.int64 if jax.config.jax_enable_x64 else jnp.int32)
    w_e = jax.random.normal(k_w, (D_VOCAB, D_MODEL), dtype=jnp.float32) * INIT_RANGE
    return {"tokens": tokens, "w_e": w_e}

def reference(tokens, w_e):
    # embed = self.w_e[tokens, :]
    embed = jnp.take(w_e, tokens, axis=0)
    return embed

if __name__ == "__main__":
    import jax
    _d = setup_inputs()
    print(jax.jit(kernel)(*tuple(_d.values())))

</pallas_src>

<mosaic_0001>
#map = affine_map<(d0, d1) -> (0, 0)>
#map1 = affine_map<(d0, d1) -> (0, 0, 0, 0, 0)>
module attributes {stable_mosaic.version = 14 : i64} {
  func.func @k(%arg0: i32, %arg1: i32, %arg2: memref<50x16384xi32, #tpu.memory_space<hbm>>, %arg3: memref<1000000x64xf32, #tpu.memory_space<hbm>>, %arg4: memref<50x8x128x8x128xf32, #tpu.memory_space<hbm>>, %arg5: memref<50x512xi32, #tpu.memory_space<vmem>>, %arg6: memref<128x64xf32, #tpu.memory_space<vmem>>, %arg7: memref<128x64xf32, #tpu.memory_space<vmem>>, %arg8: memref<8x8x133xf32, #tpu.memory_space<vmem>>, %arg9: memref<8x8x133xf32, #tpu.memory_space<vmem>>, %arg10: memref<!tpu.dma_semaphore, #tpu.memory_space<semaphore_mem>>, %arg11: memref<!tpu.dma_semaphore, #tpu.memory_space<semaphore_mem>>, %arg12: memref<!tpu.dma_semaphore, #tpu.memory_space<semaphore_mem>>, %arg13: memref<!tpu.dma_semaphore, #tpu.memory_space<semaphore_mem>>) attributes {dimension_semantics = [#tpu.dimension_semantics<core_parallel>, #tpu.dimension_semantics<subcore_parallel>], iteration_bounds = array<i64: 2, 16>, scalar_prefetch = 0 : i64, scratch_operands = 9 : i64, tpu.core_type = #tpu.core_type<sc_vector_subcore>, window_params = [{transform_indices = #map}, {transform_indices = #map}, {transform_indices = #map1}]} {
    %mul3A = arith.constant 2 : i32
    %mul3A_0 = arith.muli %arg1, %mul3A : i32
    %add3A = arith.addi %mul3A_0, %arg0 : i32
    %mul3A_1 = arith.constant 512 : i32
    %mul3A_2 = arith.muli %add3A, %mul3A_1 : i32
    %multiple_of3A = tpu.assume_multiple %mul3A_2, 512 : i32
    %mul3A_3 = arith.constant 4 : i32
    %mul3A_4 = arith.muli %add3A, %mul3A_3 : i32
    "tpu.region"() ({
      %run_scoped3A = tpu.sem_alloc : memref<!tpu.dma_semaphore, #tpu.memory_space<semaphore_mem>>
      %dma_start3A_307 = arith.constant 0 : i32
      %dma_start3A_308 = tpu.memref_slice %arg2[%dma_start3A_307, %multiple_of3A] : memref<50x16384xi32, #tpu.memory_space<hbm>> -> memref<50x512xi32, #tpu.memory_space<hbm>>
      %dma_start3A_309 = arith.constant 0 : i32
      %dma_start3A_310 = tpu.memref_slice %arg2[%dma_start3A_309, %multiple_of3A] : memref<50x16384xi32, #tpu.memory_space<hbm>> -> memref<50x512xi32, #tpu.memory_space<hbm>>
      tpu.enqueue_dma source(%dma_start3A_310 : memref<50x512xi32, #tpu.memory_space<hbm>>) target(%arg5 : memref<50x512xi32, #tpu.memory_space<vmem>>) target_semaphore(%run_scoped3A : memref<!tpu.dma_semaphore, #tpu.memory_space<semaphore_mem>>)
      %dma_wait3A_311 = arith.constant 0 : i32
      %dma_wait3A_312 = tpu.memref_slice %arg2[%dma_wait3A_311, %multiple_of3A] : memref<50x16384xi32, #tpu.memory_space<hbm>> -> memref<50x512xi32, #tpu.memory_space<hbm>>
      %dma_wait3A_313 = arith.constant 0 : i32
      %dma_wait3A_314 = tpu.memref_slice %arg2[%dma_wait3A_313, %multiple_of3A] : memref<50x16384xi32, #tpu.memory_space<hbm>> -> memref<50x512xi32, #tpu.memory_space<hbm>>
      tpu.wait_dma2 semaphore(%run_scoped3A : memref<!tpu.dma_semaphore, #tpu.memory_space<semaphore_mem>>) src(%dma_wait3A_314 : memref<50x512xi32, #tpu.memory_space<hbm>>) dst(%arg5 : memref<50x512xi32, #tpu.memory_space<vmem>>)
      tpu.yield
    }) : () -> ()
    %iota3A = tpu.iota {dimensions = array<i32: 0>} : vector<16xi32>
    %add3A_5 = arith.constant 0 : i32
    %add3A_6 = vector.broadcast %add3A_5 : i32 to vector<16xi32>
    %add3A_7 = arith.addi %add3A_6, %iota3A : vector<16xi32>
    %jit3A = arith.constant 8 : i32
    %div3A = vector.broadcast %jit3A : i32 to vector<16xi32>
    %div3A_8 = arith.divsi %add3A_7, %div3A : vector<16xi32>
    %sign3A = arith.constant 0 : i32
    %sign3A_9 = vector.broadcast %sign3A : i32 to vector<16xi32>
    %sign3A_10 = arith.cmpi sgt, %add3A_7, %sign3A_9 : vector<16xi32>
    %sign3A_11 = arith.extui %sign3A_10 : vector<16xi1> to vector<16xi32>
    %sign3A_12 = arith.constant 0 : i32
    %sign3A_13 = vector.broadcast %sign3A_12 : i32 to vector<16xi32>
    %sign3A_14 = arith.cmpi slt, %add3A_7, %sign3A_13 : vector<16xi32>
    %sign3A_15 = arith.extui %sign3A_14 : vector<16xi1> to vector<16xi32>
    %sign3A_16 = arith.subi %sign3A_11, %sign3A_15 : vector<16xi32>
    %sign3A_17 = arith.constant 0 : i32
    %sign3A_18 = arith.cmpi sgt, %jit3A, %sign3A_17 : i32
    %sign3A_19 = arith.extui %sign3A_18 : i1 to i32
    %sign3A_20 = arith.constant 0 : i32
    %sign3A_21 = arith.cmpi slt, %jit3A, %sign3A_20 : i32
    %sign3A_22 = arith.extui %sign3A_21 : i1 to i32
    %sign3A_23 = arith.subi %sign3A_19, %sign3A_22 : i32
    %ne3A = vector.broadcast %sign3A_23 : i32 to vector<16xi32>
    %ne3A_24 = arith.cmpi ne, %sign3A_16, %ne3A : vector<16xi32>
    %rem3A = vector.broadcast %jit3A : i32 to vector<16xi32>
    %rem3A_25 = arith.remsi %add3A_7, %rem3A : vector<16xi32>
    %ne3A_26 = arith.constant 0 : i32
    %ne3A_27 = vector.broadcast %ne3A_26 : i32 to vector<16xi32>
    %ne3A_28 = arith.cmpi ne, %rem3A_25, %ne3A_27 : vector<16xi32>
    %and3A = arith.andi %ne3A_24, %ne3A_28 : vector<16xi1>
    %sub3A = arith.constant 1 : i32
    %sub3A_29 = vector.broadcast %sub3A : i32 to vector<16xi32>
    %sub3A_30 = arith.subi %div3A_8, %sub3A_29 : vector<16xi32>
    %select_n3A = arith.select %and3A, %sub3A_30, %div3A_8 : vector<16xi1>, vector<16xi32>
    %add3A_31 = arith.constant 0 : i32
    %add3A_32 = vector.broadcast %add3A_31 : i32 to vector<16xi32>
    %add3A_33 = arith.addi %add3A_32, %iota3A : vector<16xi32>
    %jit3A_34 = arith.constant 8 : i32
    %eq3A = arith.constant 0 : i32
    %eq3A_35 = arith.cmpi eq, %jit3A_34, %eq3A : i32
    %jit3A_36 = arith.constant 1 : i32
    %select_n3A_37 = arith.select %eq3A_35, %jit3A_36, %jit3A_34 : i32
    %rem3A_38 = vector.broadcast %select_n3A_37 : i32 to vector<16xi32>
    %rem3A_39 = arith.remsi %add3A_33, %rem3A_38 : vector<16xi32>
    %ne3A_40 = arith.constant 0 : i32
    %ne3A_41 = vector.broadcast %ne3A_40 : i32 to vector<16xi32>
    %ne3A_42 = arith.cmpi ne, %rem3A_39, %ne3A_41 : vector<16xi32>
    %lt3A = arith.constant 0 : i32
    %lt3A_43 = vector.broadcast %lt3A : i32 to vector<16xi32>
    %lt3A_44 = arith.cmpi slt, %rem3A_39, %lt3A_43 : vector<16xi32>
    %lt3A_45 = arith.constant 0 : i32
    %lt3A_46 = arith.cmpi slt, %select_n3A_37, %lt3A_45 : i32
    %ne3A_47 = vector.broadcast %lt3A_46 : i1 to vector<16xi1>
    %ne3A_48 = vector.broadcast %ne3A_47 : vector<16xi1> to vector<16xi1>
    %ne3A_49 = arith.xori %lt3A_44, %ne3A_48 : vector<16xi1>
    %and3A_50 = arith.andi %ne3A_49, %ne3A_42 : vector<16xi1>
    %add3A_51 = vector.broadcast %select_n3A_37 : i32 to vector<16xi32>
    %add3A_52 = arith.addi %rem3A_39, %add3A_51 : vector<16xi32>
    %select_n3A_53 = arith.select %and3A_50, %add3A_52, %rem3A_39 : vector<16xi1>, vector<16xi32>
    %add3A_54 = arith.constant 16 : i32
    %add3A_55 = vector.broadcast %add3A_54 : i32 to vector<16xi32>
    %add3A_56 = arith.addi %add3A_55, %iota3A : vector<16xi32>
    %jit3A_57 = arith.constant 8 : i32
    %div3A_58 = vector.broadcast %jit3A_57 : i32 to vector<16xi32>
    %div3A_59 = arith.divsi %add3A_56, %div3A_58 : vector<16xi32>
    %sign3A_60 = arith.constant 0 : i32
    %sign3A_61 = vector.broadcast %sign3A_60 : i32 to vector<16xi32>
    %sign3A_62 = arith.cmpi sgt, %add3A_56, %sign3A_61 : vector<16xi32>
    %sign3A_63 = arith.extui %sign3A_62 : vector<16xi1> to vector<16xi32>
    %sign3A_64 = arith.constant 0 : i32
    %sign3A_65 = vector.broadcast %sign3A_64 : i32 to vector<16xi32>
    %sign3A_66 = arith.cmpi slt, %add3A_56, %sign3A_65 : vector<16xi32>
    %sign3A_67 = arith.extui %sign3A_66 : vector<16xi1> to vector<16xi32>
    %sign3A_68 = arith.subi %sign3A_63, %sign3A_67 : vector<16xi32>
    %sign3A_69 = arith.constant 0 : i32
    %sign3A_70 = arith.cmpi sgt, %jit3A_57, %sign3A_69 : i32
    %sign3A_71 = arith.extui %sign3A_70 : i1 to i32
    %sign3A_72 = arith.constant 0 : i32
    %sign3A_73 = arith.cmpi slt, %jit3A_57, %sign3A_72 : i32
    %sign3A_74 = arith.extui %sign3A_73 : i1 to i32
    %sign3A_75 = arith.subi %sign3A_71, %sign3A_74 : i32
    %ne3A_76 = vector.broadcast %sign3A_75 : i32 to vector<16xi32>
    %ne3A_77 = arith.cmpi ne, %sign3A_68, %ne3A_76 : vector<16xi32>
    %rem3A_78 = vector.broadcast %jit3A_57 : i32 to vector<16xi32>
    %rem3A_79 = arith.remsi %add3A_56, %rem3A_78 : vector<16xi32>
    %ne3A_80 = arith.constant 0 : i32
    %ne3A_81 = vector.broadcast %ne3A_80 : i32 to vector<16xi32>
    %ne3A_82 = arith.cmpi ne, %rem3A_79, %ne3A_81 : vector<16xi32>
    %and3A_83 = arith.andi %ne3A_77, %ne3A_82 : vector<16xi1>
    %sub3A_84 = arith.constant 1 : i32
    %sub3A_85 = vector.broadcast %sub3A_84 : i32 to vector<16xi32>
    %sub3A_86 = arith.subi %div3A_59, %sub3A_85 : vector<16xi32>
    %select_n3A_87 = arith.select %and3A_83, %sub3A_86, %div3A_59 : vector<16xi1>, vector<16xi32>
    %add3A_88 = arith.constant 16 : i32
    %add3A_89 = vector.broadcast %add3A_88 : i32 to vector<16xi32>
    %add3A_90 = arith.addi %add3A_89, %iota3A : vector<16xi32>
    %jit3A_91 = arith.constant 8 : i32
    %eq3A_92 = arith.constant 0 : i32
    %eq3A_93 = arith.cmpi eq, %jit3A_91, %eq3A_92 : i32
    %jit3A_94 = arith.constant 1 : i32
    %select_n3A_95 = arith.select %eq3A_93, %jit3A_94, %jit3A_91 : i32
    %rem3A_96 = vector.broadcast %select_n3A_95 : i32 to vector<16xi32>
    %rem3A_97 = arith.remsi %add3A_90, %rem3A_96 : vector<16xi32>
    %ne3A_98 = arith.constant 0 : i32
    %ne3A_99 = vector.broadcast %ne3A_98 : i32 to vector<16xi32>
    %ne3A_100 = arith.cmpi ne, %rem3A_97, %ne3A_99 : vector<16xi32>
    %lt3A_101 = arith.constant 0 : i32
    %lt3A_102 = vector.broadcast %lt3A_101 : i32 to vector<16xi32>
    %lt3A_103 = arith.cmpi slt, %rem3A_97, %lt3A_102 : vector<16xi32>
    %lt3A_104 = arith.constant 0 : i32
    %lt3A_105 = arith.cmpi slt, %select_n3A_95, %lt3A_104 : i32
    %ne3A_106 = vector.broadcast %lt3A_105 : i1 to vector<16xi1>
    %ne3A_107 = vector.broadcast %ne3A_106 : vector<16xi1> to vector<16xi1>
    %ne3A_108 = arith.xori %lt3A_103, %ne3A_107 : vector<16xi1>
    %and3A_109 = arith.andi %ne3A_108, %ne3A_100 : vector<16xi1>
    %add3A_110 = vector.broadcast %select_n3A_95 : i32 to vector<16xi32>
    %add3A_111 = arith.addi %rem3A_97, %add3A_110 : vector<16xi32>
    %select_n3A_112 = arith.select %and3A_109, %add3A_111, %rem3A_97 : vector<16xi1>, vector<16xi32>
    %add3A_113 = arith.constant 32 : i32
    %add3A_114 = vector.broadcast %add3A_113 : i32 to vector<16xi32>
    %add3A_115 = arith.addi %add3A_114, %iota3A : vector<16xi32>
    %jit3A_116 = arith.constant 8 : i32
    %div3A_117 = vector.broadcast %jit3A_116 : i32 to vector<16xi32>
    %div3A_118 = arith.divsi %add3A_115, %div3A_117 : vector<16xi32>
    %sign3A_119 = arith.constant 0 : i32
    %sign3A_120 = vector.broadcast %sign3A_119 : i32 to vector<16xi32>
    %sign3A_121 = arith.cmpi sgt, %add3A_115, %sign3A_120 : vector<16xi32>
    %sign3A_122 = arith.extui %sign3A_121 : vector<16xi1> to vector<16xi32>
    %sign3A_123 = arith.constant 0 : i32
    %sign3A_124 = vector.broadcast %sign3A_123 : i32 to vector<16xi32>
    %sign3A_125 = arith.cmpi slt, %add3A_115, %sign3A_124 : vector<16xi32>
    %sign3A_126 = arith.extui %sign3A_125 : vector<16xi1> to vector<16xi32>
    %sign3A_127 = arith.subi %sign3A_122, %sign3A_126 : vector<16xi32>
    %sign3A_128 = arith.constant 0 : i32
    %sign3A_129 = arith.cmpi sgt, %jit3A_116, %sign3A_128 : i32
    %sign3A_130 = arith.extui %sign3A_129 : i1 to i32
    %sign3A_131 = arith.constant 0 : i32
    %sign3A_132 = arith.cmpi slt, %jit3A_116, %sign3A_131 : i32
    %sign3A_133 = arith.extui %sign3A_132 : i1 to i32
    %sign3A_134 = arith.subi %sign3A_130, %sign3A_133 : i32
    %ne3A_135 = vector.broadcast %sign3A_134 : i32 to vector<16xi32>
    %ne3A_136 = arith.cmpi ne, %sign3A_127, %ne3A_135 : vector<16xi32>
    %rem3A_137 = vector.broadcast %jit3A_116 : i32 to vector<16xi32>
    %rem3A_138 = arith.remsi %add3A_115, %rem3A_137 : vector<16xi32>
    %ne3A_139 = arith.constant 0 : i32
    %ne3A_140 = vector.broadcast %ne3A_139 : i32 to vector<16xi32>
    %ne3A_141 = arith.cmpi ne, %rem3A_138, %ne3A_140 : vector<16xi32>
    %and3A_142 = arith.andi %ne3A_136, %ne3A_141 : vector<16xi1>
    %sub3A_143 = arith.constant 1 : i32
    %sub3A_144 = vector.broadcast %sub3A_143 : i32 to vector<16xi32>
    %sub3A_145 = arith.subi %div3A_118, %sub3A_144 : vector<16xi32>
    %select_n3A_146 = arith.select %and3A_142, %sub3A_145, %div3A_118 : vector<16xi1>, vector<16xi32>
    %add3A_147 = arith.constant 32 : i32
    %add3A_148 = vector.broadcast %add3A_147 : i32 to vector<16xi32>
    %add3A_149 = arith.addi %add3A_148, %iota3A : vector<16xi32>
    %jit3A_150 = arith.constant 8 : i32
    %eq3A_151 = arith.constant 0 : i32
    %eq3A_152 = arith.cmpi eq, %jit3A_150, %eq3A_151 : i32
    %jit3A_153 = arith.constant 1 : i32
    %select_n3A_154 = arith.select %eq3A_152, %jit3A_153, %jit3A_150 : i32
    %rem3A_155 = vector.broadcast %select_n3A_154 : i32 to vector<16xi32>
    %rem3A_156 = arith.remsi %add3A_149, %rem3A_155 : vector<16xi32>
    %ne3A_157 = arith.constant 0 : i32
    %ne3A_158 = vector.broadcast %ne3A_157 : i32 to vector<16xi32>
    %ne3A_159 = arith.cmpi ne, %rem3A_156, %ne3A_158 : vector<16xi32>
    %lt3A_160 = arith.constant 0 : i32
    %lt3A_161 = vector.broadcast %lt3A_160 : i32 to vector<16xi32>
    %lt3A_162 = arith.cmpi slt, %rem3A_156, %lt3A_161 : vector<16xi32>
    %lt3A_163 = arith.constant 0 : i32
    %lt3A_164 = arith.cmpi slt, %select_n3A_154, %lt3A_163 : i32
    %ne3A_165 = vector.broadcast %lt3A_164 : i1 to vector<16xi1>
    %ne3A_166 = vector.broadcast %ne3A_165 : vector<16xi1> to vector<16xi1>
    %ne3A_167 = arith.xori %lt3A_162, %ne3A_166 : vector<16xi1>
    %and3A_168 = arith.andi %ne3A_167, %ne3A_159 : vector<16xi1>
    %add3A_169 = vector.broadcast %select_n3A_154 : i32 to vector<16xi32>
    %add3A_170 = arith.addi %rem3A_156, %add3A_169 : vector<16xi32>
    %select_n3A_171 = arith.select %and3A_168, %add3A_170, %rem3A_156 : vector<16xi1>, vector<16xi32>
    %add3A_172 = arith.constant 48 : i32
    %add3A_173 = vector.broadcast %add3A_172 : i32 to vector<16xi32>
    %add3A_174 = arith.addi %add3A_173, %iota3A : vector<16xi32>
    %jit3A_175 = arith.constant 8 : i32
    %div3A_176 = vector.broadcast %jit3A_175 : i32 to vector<16xi32>
    %div3A_177 = arith.divsi %add3A_174, %div3A_176 : vector<16xi32>
    %sign3A_178 = arith.constant 0 : i32
    %sign3A_179 = vector.broadcast %sign3A_178 : i32 to vector<16xi32>
    %sign3A_180 = arith.cmpi sgt, %add3A_174, %sign3A_179 : vector<16xi32>
    %sign3A_181 = arith.extui %sign3A_180 : vector<16xi1> to vector<16xi32>
    %sign3A_182 = arith.constant 0 : i32
    %sign3A_183 = vector.broadcast %sign3A_182 : i32 to vector<16xi32>
    %sign3A_184 = arith.cmpi slt, %add3A_174, %sign3A_183 : vector<16xi32>
    %sign3A_185 = arith.extui %sign3A_184 : vector<16xi1> to vector<16xi32>
    %sign3A_186 = arith.subi %sign3A_181, %sign3A_185 : vector<16xi32>
    %sign3A_187 = arith.constant 0 : i32
    %sign3A_188 = arith.cmpi sgt, %jit3A_175, %sign3A_187 : i32
    %sign3A_189 = arith.extui %sign3A_188 : i1 to i32
    %sign3A_190 = arith.constant 0 : i32
    %sign3A_191 = arith.cmpi slt, %jit3A_175, %sign3A_190 : i32
    %sign3A_192 = arith.extui %sign3A_191 : i1 to i32
    %sign3A_193 = arith.subi %sign3A_189, %sign3A_192 : i32
    %ne3A_194 = vector.broadcast %sign3A_193 : i32 to vector<16xi32>
    %ne3A_195 = arith.cmpi ne, %sign3A_186, %ne3A_194 : vector<16xi32>
    %rem3A_196 = vector.broadcast %jit3A_175 : i32 to vector<16xi32>
    %rem3A_197 = arith.remsi %add3A_174, %rem3A_196 : vector<16xi32>
    %ne3A_198 = arith.constant 0 : i32
    %ne3A_199 = vector.broadcast %ne3A_198 : i32 to vector<16xi32>
    %ne3A_200 = arith.cmpi ne, %rem3A_197, %ne3A_199 : vector<16xi32>
    %and3A_201 = arith.andi %ne3A_195, %ne3A_200 : vector<16xi1>
    %sub3A_202 = arith.constant 1 : i32
    %sub3A_203 = vector.broadcast %sub3A_202 : i32 to vector<16xi32>
    %sub3A_204 = arith.subi %div3A_177, %sub3A_203 : vector<16xi32>
    %select_n3A_205 = arith.select %and3A_201, %sub3A_204, %div3A_177 : vector<16xi1>, vector<16xi32>
    %add3A_206 = arith.constant 48 : i32
    %add3A_207 = vector.broadcast %add3A_206 : i32 to vector<16xi32>
    %add3A_208 = arith.addi %add3A_207, %iota3A : vector<16xi32>
    %jit3A_209 = arith.constant 8 : i32
    %eq3A_210 = arith.constant 0 : i32
    %eq3A_211 = arith.cmpi eq, %jit3A_209, %eq3A_210 : i32
    %jit3A_212 = arith.constant 1 : i32
    %select_n3A_213 = arith.select %eq3A_211, %jit3A_212, %jit3A_209 : i32
    %rem3A_214 = vector.broadcast %select_n3A_213 : i32 to vector<16xi32>
    %rem3A_215 = arith.remsi %add3A_208, %rem3A_214 : vector<16xi32>
    %ne3A_216 = arith.constant 0 : i32
    %ne3A_217 = vector.broadcast %ne3A_216 : i32 to vector<16xi32>
    %ne3A_218 = arith.cmpi ne, %rem3A_215, %ne3A_217 : vector<16xi32>
    %lt3A_219 = arith.constant 0 : i32
    %lt3A_220 = vector.broadcast %lt3A_219 : i32 to vector<16xi32>
    %lt3A_221 = arith.cmpi slt, %rem3A_215, %lt3A_220 : vector<16xi32>
    %lt3A_222 = arith.constant 0 : i32
    %lt3A_223 = arith.cmpi slt, %select_n3A_213, %lt3A_222 : i32
    %ne3A_224 = vector.broadcast %lt3A_223 : i1 to vector<16xi1>
    %ne3A_225 = vector.broadcast %ne3A_224 : vector<16xi1> to vector<16xi1>
    %ne3A_226 = arith.xori %lt3A_221, %ne3A_225 : vector<16xi1>
    %and3A_227 = arith.andi %ne3A_226, %ne3A_218 : vector<16xi1>
    %add3A_228 = vector.broadcast %select_n3A_213 : i32 to vector<16xi32>
    %add3A_229 = arith.addi %rem3A_215, %add3A_228 : vector<16xi32>
    %select_n3A_230 = arith.select %and3A_227, %add3A_229, %rem3A_215 : vector<16xi1>, vector<16xi32>
    %multiple_of3A_231 = arith.constant 0 : i32
    %multiple_of3A_232 = tpu.assume_multiple %multiple_of3A_231, 128 : i32
    %dma_start3A = arith.constant 0 : i32
    %dma_start3A_233 = tpu.memref_slice %arg5[%dma_start3A, %multiple_of3A_232] : memref<50x512xi32, #tpu.memory_space<vmem>> -> memref<1x128xi32, #tpu.memory_space<vmem>>
    %dma_start3A_234 = tpu.memref_squeeze %dma_start3A_233 : memref<1x128xi32, #tpu.memory_space<vmem>> -> memref<128xi32, #tpu.memory_space<vmem>>
    %dma_start3A_235 = arith.constant 0 : i32
    %dma_start3A_236 = arith.constant 0 : i32
    %dma_start3A_237 = tpu.memref_slice %arg3[%dma_start3A_235, %dma_start3A_236] : memref<1000000x64xf32, #tpu.memory_space<hbm>> -> memref<1000000x64xf32, #tpu.memory_space<hbm>>
    tpu.enqueue_indirect_dma source(%dma_start3A_237 : memref<1000000x64xf32, #tpu.memory_space<hbm>>) target(%arg6 : memref<128x64xf32, #tpu.memory_space<vmem>>) offsets(%dma_start3A_234 : memref<128xi32, #tpu.memory_space<vmem>>) semaphore(%arg10 : memref<!tpu.dma_semaphore, #tpu.memory_space<semaphore_mem>>)
    %scan3A = arith.constant 0 : i32
    %scan3A_238 = arith.constant 100 : i32
    %scan3A_239 = arith.addi %scan3A, %scan3A_238 : i32
    %scan3A_240 = arith.constant 1 : i32
    scf.for %scan3A_307 = %scan3A to %scan3A_239 step %scan3A_240  : i32 {
      %mul3A_308 = arith.constant 2 : i32
      %mul3A_309 = arith.muli %scan3A_307, %mul3A_308 : i32
      %add3A_310 = arith.constant 0 : i32
      %add3A_311 = arith.addi %add3A_310, %mul3A_309 : i32
      %add3A_312 = arith.constant 0 : i32
      %add3A_313 = arith.addi %add3A_311, %add3A_312 : i32
      %add3A_314 = arith.constant 1 : i32
      %add3A_315 = arith.addi %add3A_313, %add3A_314 : i32
      %lt3A_316 = arith.constant 200 : i32
      %lt3A_317 = arith.cmpi slt, %add3A_315, %lt3A_316 : i32
      %convert_element_type3A = arith.extui %lt3A_317 : i1 to i32
      %cond3A = arith.constant 0 : i32
      %cond3A_318 = arith.cmpi ne, %convert_element_type3A, %cond3A : i32
      scf.if %cond3A_318 {
        %add3A_580 = arith.constant 1 : i32
        %add3A_581 = arith.addi %add3A_313, %add3A_580 : i32
        %jit3A_582 = arith.constant 4 : i32
        %div3A_583 = arith.divsi %add3A_581, %jit3A_582 : i32
        %sign3A_584 = arith.constant 0 : i32
        %sign3A_585 = arith.cmpi sgt, %add3A_581, %sign3A_584 : i32
        %sign3A_586 = arith.extui %sign3A_585 : i1 to i32
        %sign3A_587 = arith.constant 0 : i32
        %sign3A_588 = arith.cmpi slt, %add3A_581, %sign3A_587 : i32
        %sign3A_589 = arith.extui %sign3A_588 : i1 to i32
        %sign3A_590 = arith.subi %sign3A_586, %sign3A_589 : i32
        %sign3A_591 = arith.constant 0 : i32
        %sign3A_592 = arith.cmpi sgt, %jit3A_582, %sign3A_591 : i32
        %sign3A_593 = arith.extui %sign3A_592 : i1 to i32
        %sign3A_594 = arith.constant 0 : i32
        %sign3A_595 = arith.cmpi slt, %jit3A_582, %sign3A_594 : i32
        %sign3A_596 = arith.extui %sign3A_595 : i1 to i32
        %sign3A_597 = arith.subi %sign3A_593, %sign3A_596 : i32
        %ne3A_598 = arith.cmpi ne, %sign3A_590, %sign3A_597 : i32
        %rem3A_599 = arith.remsi %add3A_581, %jit3A_582 : i32
        %ne3A_600 = arith.constant 0 : i32
        %ne3A_601 = arith.cmpi ne, %rem3A_599, %ne3A_600 : i32
        %and3A_602 = arith.andi %ne3A_598, %ne3A_601 : i1
        %sub3A_603 = arith.constant 1 : i32
        %sub3A_604 = arith.subi %div3A_583, %sub3A_603 : i32
        %select_n3A_605 = arith.select %and3A_602, %sub3A_604, %div3A_583 : i32
        %jit3A_606 = arith.constant 4 : i32
        %eq3A_607 = arith.constant 0 : i32
        %eq3A_608 = arith.cmpi eq, %jit3A_606, %eq3A_607 : i32
        %jit3A_609 = arith.constant 1 : i32
        %select_n3A_610 = arith.select %eq3A_608, %jit3A_609, %jit3A_606 : i32
        %rem3A_611 = arith.remsi %add3A_581, %select_n3A_610 : i32
        %ne3A_612 = arith.constant 0 : i32
        %ne3A_613 = arith.cmpi ne, %rem3A_611, %ne3A_612 : i32
        %lt3A_614 = arith.constant 0 : i32
        %lt3A_615 = arith.cmpi slt, %rem3A_611, %lt3A_614 : i32
        %lt3A_616 = arith.constant 0 : i32
        %lt3A_617 = arith.cmpi slt, %select_n3A_610, %lt3A_616 : i32
        %ne3A_618 = arith.xori %lt3A_615, %lt3A_617 : i1
        %and3A_619 = arith.andi %ne3A_618, %ne3A_613 : i1
        %add3A_620 = arith.addi %rem3A_611, %select_n3A_610 : i32
        %select_n3A_621 = arith.select %and3A_619, %add3A_620, %rem3A_611 : i32
        %mul3A_622 = arith.constant 128 : i32
        %mul3A_623 = arith.muli %select_n3A_621, %mul3A_622 : i32
        %multiple_of3A_624 = tpu.assume_multiple %mul3A_623, 128 : i32
        %dma_start3A_625 = tpu.memref_slice %arg5[%select_n3A_605, %multiple_of3A_624] : memref<50x512xi32, #tpu.memory_space<vmem>> -> memref<1x128xi32, #tpu.memory_space<vmem>>
        %dma_start3A_626 = tpu.memref_squeeze %dma_start3A_625 : memref<1x128xi32, #tpu.memory_space<vmem>> -> memref<128xi32, #tpu.memory_space<vmem>>
        %dma_start3A_627 = arith.constant 0 : i32
        %dma_start3A_628 = arith.constant 0 : i32
        %dma_start3A_629 = tpu.memref_slice %arg3[%dma_start3A_627, %dma_start3A_628] : memref<1000000x64xf32, #tpu.memory_space<hbm>> -> memref<1000000x64xf32, #tpu.memory_space<hbm>>
        tpu.enqueue_indirect_dma source(%dma_start3A_629 : memref<1000000x64xf32, #tpu.memory_space<hbm>>) target(%arg7 : memref<128x64xf32, #tpu.memory_space<vmem>>) offsets(%dma_start3A_626 : memref<128xi32, #tpu.memory_space<vmem>>) semaphore(%arg11 : memref<!tpu.dma_semaphore, #tpu.memory_space<semaphore_mem>>)
      } else {
      }
      %jit3A_319 = arith.constant 4 : i32
      %div3A_320 = arith.divsi %add3A_313, %jit3A_319 : i32
      %sign3A_321 = arith.constant 0 : i32
      %sign3A_322 = arith.cmpi sgt, %add3A_313, %sign3A_321 : i32
      %sign3A_323 = arith.extui %sign3A_322 : i1 to i32
      %sign3A_324 = arith.constant 0 : i32
      %sign3A_325 = arith.cmpi slt, %add3A_313, %sign3A_324 : i32
      %sign3A_326 = arith.extui %sign3A_325 : i1 to i32
      %sign3A_327 = arith.subi %sign3A_323, %sign3A_326 : i32
      %sign3A_328 = arith.constant 0 : i32
      %sign3A_329 = arith.cmpi sgt, %jit3A_319, %sign3A_328 : i32
      %sign3A_330 = arith.extui %sign3A_329 : i1 to i32
      %sign3A_331 = arith.constant 0 : i32
      %sign3A_332 = arith.cmpi slt, %jit3A_319, %sign3A_331 : i32
      %sign3A_333 = arith.extui %sign3A_332 : i1 to i32
      %sign3A_334 = arith.subi %sign3A_330, %sign3A_333 : i32
      %ne3A_335 = arith.cmpi ne, %sign3A_327, %sign3A_334 : i32
      %rem3A_336 = arith.remsi %add3A_313, %jit3A_319 : i32
      %ne3A_337 = arith.constant 0 : i32
      %ne3A_338 = arith.cmpi ne, %rem3A_336, %ne3A_337 : i32
      %and3A_339 = arith.andi %ne3A_335, %ne3A_338 : i1
      %sub3A_340 = arith.constant 1 : i32
      %sub3A_341 = arith.subi %div3A_320, %sub3A_340 : i32
      %select_n3A_342 = arith.select %and3A_339, %sub3A_341, %div3A_320 : i32
      %jit3A_343 = arith.constant 4 : i32
      %eq3A_344 = arith.constant 0 : i32
      %eq3A_345 = arith.cmpi eq, %jit3A_343, %eq3A_344 : i32
      %jit3A_346 = arith.constant 1 : i32
      %select_n3A_347 = arith.select %eq3A_345, %jit3A_346, %jit3A_343 : i32
      %rem3A_348 = arith.remsi %add3A_313, %select_n3A_347 : i32
      %ne3A_349 = arith.constant 0 : i32
      %ne3A_350 = arith.cmpi ne, %rem3A_348, %ne3A_349 : i32
      %lt3A_351 = arith.constant 0 : i32
      %lt3A_352 = arith.cmpi slt, %rem3A_348, %lt3A_351 : i32
      %lt3A_353 = arith.constant 0 : i32
      %lt3A_354 = arith.cmpi slt, %select_n3A_347, %lt3A_353 : i32
      %ne3A_355 = arith.xori %lt3A_352, %lt3A_354 : i1
      %and3A_356 = arith.andi %ne3A_355, %ne3A_350 : i1
      %add3A_357 = arith.addi %rem3A_348, %select_n3A_347 : i32
      %select_n3A_358 = arith.select %and3A_356, %add3A_357, %rem3A_348 : i32
      %mul3A_359 = arith.constant 128 : i32
      %mul3A_360 = arith.muli %select_n3A_358, %mul3A_359 : i32
      %multiple_of3A_361 = tpu.assume_multiple %mul3A_360, 128 : i32
      %dma_wait3A_362 = tpu.memref_slice %arg5[%select_n3A_342, %multiple_of3A_361] : memref<50x512xi32, #tpu.memory_space<vmem>> -> memref<1x128xi32, #tpu.memory_space<vmem>>
      %dma_wait3A_363 = tpu.memref_squeeze %dma_wait3A_362 : memref<1x128xi32, #tpu.memory_space<vmem>> -> memref<128xi32, #tpu.memory_space<vmem>>
      %dma_wait3A_364 = arith.constant 0 : i32
      %dma_wait3A_365 = arith.constant 0 : i32
      %dma_wait3A_366 = tpu.memref_slice %arg3[%dma_wait3A_364, %dma_wait3A_365] : memref<1000000x64xf32, #tpu.memory_space<hbm>> -> memref<1000000x64xf32, #tpu.memory_space<hbm>>
      tpu.wait_indirect_dma semaphore(%arg10 : memref<!tpu.dma_semaphore, #tpu.memory_space<semaphore_mem>>) src(%dma_wait3A_366 : memref<1000000x64xf32, #tpu.memory_space<hbm>>) dst(%arg6 : memref<128x64xf32, #tpu.memory_space<vmem>>)
      %ge3A = arith.constant 2 : i32
      %ge3A_367 = arith.cmpi sge, %add3A_313, %ge3A : i32
      %convert_element_type3A_368 = arith.extui %ge3A_367 : i1 to i32
      %cond3A_369 = arith.constant 0 : i32
      %cond3A_370 = arith.cmpi ne, %convert_element_type3A_368, %cond3A_369 : i32
      scf.if %cond3A_370 {
        %sub3A_580 = arith.constant 2 : i32
        %sub3A_581 = arith.subi %add3A_313, %sub3A_580 : i32
        %jit3A_582 = arith.constant 4 : i32
        %div3A_583 = arith.divsi %sub3A_581, %jit3A_582 : i32
        %sign3A_584 = arith.constant 0 : i32
        %sign3A_585 = arith.cmpi sgt, %sub3A_581, %sign3A_584 : i32
        %sign3A_586 = arith.extui %sign3A_585 : i1 to i32
        %sign3A_587 = arith.constant 0 : i32
        %sign3A_588 = arith.cmpi slt, %sub3A_581, %sign3A_587 : i32
        %sign3A_589 = arith.extui %sign3A_588 : i1 to i32
        %sign3A_590 = arith.subi %sign3A_586, %sign3A_589 : i32
        %sign3A_591 = arith.constant 0 : i32
        %sign3A_592 = arith.cmpi sgt, %jit3A_582, %sign3A_591 : i32
        %sign3A_593 = arith.extui %sign3A_592 : i1 to i32
        %sign3A_594 = arith.constant 0 : i32
        %sign3A_595 = arith.cmpi slt, %jit3A_582, %sign3A_594 : i32
        %sign3A_596 = arith.extui %sign3A_595 : i1 to i32
        %sign3A_597 = arith.subi %sign3A_593, %sign3A_596 : i32
        %ne3A_598 = arith.cmpi ne, %sign3A_590, %sign3A_597 : i32
        %rem3A_599 = arith.remsi %sub3A_581, %jit3A_582 : i32
        %ne3A_600 = arith.constant 0 : i32
        %ne3A_601 = arith.cmpi ne, %rem3A_599, %ne3A_600 : i32
        %and3A_602 = arith.andi %ne3A_598, %ne3A_601 : i1
        %sub3A_603 = arith.constant 1 : i32
        %sub3A_604 = arith.subi %div3A_583, %sub3A_603 : i32
        %select_n3A_605 = arith.select %and3A_602, %sub3A_604, %div3A_583 : i32
        %jit3A_606 = arith.constant 4 : i32
        %eq3A_607 = arith.constant 0 : i32
        %eq3A_608 = arith.cmpi eq, %jit3A_606, %eq3A_607 : i32
        %jit3A_609 = arith.constant 1 : i32
        %select_n3A_610 = arith.select %eq3A_608, %jit3A_609, %jit3A_606 : i32
        %rem3A_611 = arith.remsi %sub3A_581, %select_n3A_610 : i32
        %ne3A_612 = arith.constant 0 : i32
        %ne3A_613 = arith.cmpi ne, %rem3A_611, %ne3A_612 : i32
        %lt3A_614 = arith.constant 0 : i32
        %lt3A_615 = arith.cmpi slt, %rem3A_611, %lt3A_614 : i32
        %lt3A_616 = arith.constant 0 : i32
        %lt3A_617 = arith.cmpi slt, %select_n3A_610, %lt3A_616 : i32
        %ne3A_618 = arith.xori %lt3A_615, %lt3A_617 : i1
        %and3A_619 = arith.andi %ne3A_618, %ne3A_613 : i1
        %add3A_620 = arith.addi %rem3A_611, %select_n3A_610 : i32
        %select_n3A_621 = arith.select %and3A_619, %add3A_620, %rem3A_611 : i32
        %add3A_622 = arith.addi %mul3A_4, %select_n3A_621 : i32
        %dma_wait3A_623 = arith.constant 0 : i32
        %dma_wait3A_624 = arith.constant 0 : i32
        %dma_wait3A_625 = arith.constant 0 : i32
        %dma_wait3A_626 = tpu.memref_slice %arg8[%dma_wait3A_623, %dma_wait3A_624, %dma_wait3A_625] : memref<8x8x133xf32, #tpu.memory_space<vmem>> -> memref<8x8x128xf32, #tpu.memory_space<vmem>>
        %dma_wait3A_627 = arith.constant 0 : i32
        %dma_wait3A_628 = arith.constant 0 : i32
        %dma_wait3A_629 = arith.constant 0 : i32
        %dma_wait3A_630 = arith.constant 0 : i32
        %dma_wait3A_631 = tpu.memref_slice %arg4[%select_n3A_605, %dma_wait3A_627, %dma_wait3A_628, %dma_wait3A_629, %dma_wait3A_630] : memref<50x8x128x8x128xf32, #tpu.memory_space<hbm>> -> memref<1x8x128x8x128xf32, #tpu.memory_space<hbm>>
        %dma_wait3A_632 = tpu.memref_squeeze %dma_wait3A_631 : memref<1x8x128x8x128xf32, #tpu.memory_space<hbm>> -> memref<8x128x8x128xf32, #tpu.memory_space<hbm>>
        %dma_wait3A_633 = arith.constant 0 : i32
        %dma_wait3A_634 = arith.constant 0 : i32
        %dma_wait3A_635 = arith.constant 0 : i32
        %dma_wait3A_636 = tpu.memref_slice %dma_wait3A_632[%dma_wait3A_633, %add3A_622, %dma_wait3A_634, %dma_wait3A_635] : memref<8x128x8x128xf32, #tpu.memory_space<hbm>> -> memref<8x1x8x128xf32, #tpu.memory_space<hbm>>
        %dma_wait3A_637 = tpu.memref_squeeze %dma_wait3A_636 : memref<8x1x8x128xf32, #tpu.memory_space<hbm>> -> memref<8x8x128xf32, #tpu.memory_space<hbm>>
        %dma_wait3A_638 = arith.constant 0 : i32
        %dma_wait3A_639 = arith.constant 0 : i32
        %dma_wait3A_640 = arith.constant 0 : i32
        %dma_wait3A_641 = arith.constant 0 : i32
        %dma_wait3A_642 = tpu.memref_slice %arg4[%select_n3A_605, %dma_wait3A_638, %dma_wait3A_639, %dma_wait3A_640, %dma_wait3A_641] : memref<50x8x128x8x128xf32, #tpu.memory_space<hbm>> -> memref<1x8x128x8x128xf32, #tpu.memory_space<hbm>>
        %dma_wait3A_643 = tpu.memref_squeeze %dma_wait3A_642 : memref<1x8x128x8x128xf32, #tpu.memory_space<hbm>> -> memref<8x128x8x128xf32, #tpu.memory_space<hbm>>
        %dma_wait3A_644 = arith.constant 0 : i32
        %dma_wait3A_645 = arith.constant 0 : i32
        %dma_wait3A_646 = arith.constant 0 : i32
        %dma_wait3A_647 = tpu.memref_slice %dma_wait3A_643[%dma_wait3A_644, %add3A_622, %dma_wait3A_645, %dma_wait3A_646] : memref<8x128x8x128xf32, #tpu.memory_space<hbm>> -> memref<8x1x8x128xf32, #tpu.memory_space<hbm>>
        %dma_wait3A_648 = tpu.memref_squeeze %dma_wait3A_647 : memref<8x1x8x128xf32, #tpu.memory_space<hbm>> -> memref<8x8x128xf32, #tpu.memory_space<hbm>>
        %dma_wait3A_649 = arith.constant 0 : i32
        %dma_wait3A_650 = arith.constant 0 : i32
        %dma_wait3A_651 = arith.constant 0 : i32
        %dma_wait3A_652 = tpu.memref_slice %arg8[%dma_wait3A_649, %dma_wait3A_650, %dma_wait3A_651] : memref<8x8x133xf32, #tpu.memory_space<vmem>> -> memref<8x8x128xf32, #tpu.memory_space<vmem>>
        tpu.wait_dma2 semaphore(%arg12 : memref<!tpu.dma_semaphore, #tpu.memory_space<semaphore_mem>>) src(%dma_wait3A_652 : memref<8x8x128xf32, #tpu.memory_space<vmem>>) dst(%dma_wait3A_648 : memref<8x8x128xf32, #tpu.memory_space<hbm>>)
      } else {
      }
      %parallel_loop3A = arith.constant 0 : i32
      %parallel_loop3A_371 = arith.constant 128 : i32
      %parallel_loop3A_372 = arith.constant 1 : i32
      scf.for %parallel_loop3A_580 = %parallel_loop3A to %parallel_loop3A_371 step %parallel_loop3A_372  : i32 {
        %parallel_loop3A_581 = vector.broadcast %parallel_loop3A_580 : i32 to vector<16xi32>
        %parallel_loop3A_582 = arith.constant 0 : i32
        %parallel_loop3A_583 = tpu.assume_multiple %parallel_loop3A_582, 16 : i32
        %parallel_loop3A_584 = arith.index_cast %parallel_loop3A_580 : i32 to index
        %parallel_loop3A_585 = arith.index_cast %parallel_loop3A_583 : i32 to index
        %parallel_loop3A_586 = tpu.vector_load %arg6[%parallel_loop3A_584, %parallel_loop3A_585] {strides = array<i32>} : memref<128x64xf32, #tpu.memory_space<vmem>>, vector<16xf32>,
        tpu.vector_store_idx %arg8[%select_n3A, %select_n3A_53, %parallel_loop3A_581], %parallel_loop3A_586 : memref<8x8x133xf32, #tpu.memory_space<vmem>>[vector<16xi32>, vector<16xi32>, vector<16xi32>], vector<16xf32>,
        %parallel_loop3A_587 = arith.constant 16 : i32
        %parallel_loop3A_588 = tpu.assume_multiple %parallel_loop3A_587, 16 : i32
        %parallel_loop3A_589 = arith.index_cast %parallel_loop3A_580 : i32 to index
        %parallel_loop3A_590 = arith.index_cast %parallel_loop3A_588 : i32 to index
        %parallel_loop3A_591 = tpu.vector_load %arg6[%parallel_loop3A_589, %parallel_loop3A_590] {strides = array<i32>} : memref<128x64xf32, #tpu.memory_space<vmem>>, vector<16xf32>,
        tpu.vector_store_idx %arg8[%select_n3A_87, %select_n3A_112, %parallel_loop3A_581], %parallel_loop3A_591 : memref<8x8x133xf32, #tpu.memory_space<vmem>>[vector<16xi32>, vector<16xi32>, vector<16xi32>], vector<16xf32>,
        %parallel_loop3A_592 = arith.constant 32 : i32
        %parallel_loop3A_593 = tpu.assume_multiple %parallel_loop3A_592, 16 : i32
        %parallel_loop3A_594 = arith.index_cast %parallel_loop3A_580 : i32 to index
        %parallel_loop3A_595 = arith.index_cast %parallel_loop3A_593 : i32 to index
        %parallel_loop3A_596 = tpu.vector_load %arg6[%parallel_loop3A_594, %parallel_loop3A_595] {strides = array<i32>} : memref<128x64xf32, #tpu.memory_space<vmem>>, vector<16xf32>,
        tpu.vector_store_idx %arg8[%select_n3A_146, %select_n3A_171, %parallel_loop3A_581], %parallel_loop3A_596 : memref<8x8x133xf32, #tpu.memory_space<vmem>>[vector<16xi32>, vector<16xi32>, vector<16xi32>], vector<16xf32>,
        %parallel_loop3A_597 = arith.constant 48 : i32
        %parallel_loop3A_598 = tpu.assume_multiple %parallel_loop3A_597, 16 : i32
        %parallel_loop3A_599 = arith.index_cast %parallel_loop3A_580 : i32 to index
        %parallel_loop3A_600 = arith.index_cast %parallel_loop3A_598 : i32 to index
        %parallel_loop3A_601 = tpu.vector_load %arg6[%parallel_loop3A_599, %parallel_loop3A_600] {strides = array<i32>} : memref<128x64xf32, #tpu.memory_space<vmem>>, vector<16xf32>,
        tpu.vector_store_idx %arg8[%select_n3A_205, %select_n3A_230, %parallel_loop3A_581], %parallel_loop3A_601 : memref<8x8x133xf32, #tpu.memory_space<vmem>>[vector<16xi32>, vector<16xi32>, vector<16xi32>], vector<16xf32>,
      } {sc.loop_unroll_factor = 8 : i64, sc.parallel_access}
      %jit3A_373 = arith.constant 4 : i32
      %div3A_374 = arith.divsi %add3A_313, %jit3A_373 : i32
      %sign3A_375 = arith.constant 0 : i32
      %sign3A_376 = arith.cmpi sgt, %add3A_313, %sign3A_375 : i32
      %sign3A_377 = arith.extui %sign3A_376 : i1 to i32
      %sign3A_378 = arith.constant 0 : i32
      %sign3A_379 = arith.cmpi slt, %add3A_313, %sign3A_378 : i32
      %sign3A_380 = arith.extui %sign3A_379 : i1 to i32
      %sign3A_381 = arith.subi %sign3A_377, %sign3A_380 : i32
      %sign3A_382 = arith.constant 0 : i32
      %sign3A_383 = arith.cmpi sgt, %jit3A_373, %sign3A_382 : i32
      %sign3A_384 = arith.extui %sign3A_383 : i1 to i32
      %sign3A_385 = arith.constant 0 : i32
      %sign3A_386 = arith.cmpi slt, %jit3A_373, %sign3A_385 : i32
      %sign3A_387 = arith.extui %sign3A_386 : i1 to i32
      %sign3A_388 = arith.subi %sign3A_384, %sign3A_387 : i32
      %ne3A_389 = arith.cmpi ne, %sign3A_381, %sign3A_388 : i32
      %rem3A_390 = arith.remsi %add3A_313, %jit3A_373 : i32
      %ne3A_391 = arith.constant 0 : i32
      %ne3A_392 = arith.cmpi ne, %rem3A_390, %ne3A_391 : i32
      %and3A_393 = arith.andi %ne3A_389, %ne3A_392 : i1
      %sub3A_394 = arith.constant 1 : i32
      %sub3A_395 = arith.subi %div3A_374, %sub3A_394 : i32
      %select_n3A_396 = arith.select %and3A_393, %sub3A_395, %div3A_374 : i32
      %jit3A_397 = arith.constant 4 : i32
      %eq3A_398 = arith.constant 0 : i32
      %eq3A_399 = arith.cmpi eq, %jit3A_397, %eq3A_398 : i32
      %jit3A_400 = arith.constant 1 : i32
      %select_n3A_401 = arith.select %eq3A_399, %jit3A_400, %jit3A_397 : i32
      %rem3A_402 = arith.remsi %add3A_313, %select_n3A_401 : i32
      %ne3A_403 = arith.constant 0 : i32
      %ne3A_404 = arith.cmpi ne, %rem3A_402, %ne3A_403 : i32
      %lt3A_405 = arith.constant 0 : i32
      %lt3A_406 = arith.cmpi slt, %rem3A_402, %lt3A_405 : i32
      %lt3A_407 = arith.constant 0 : i32
      %lt3A_408 = arith.cmpi slt, %select_n3A_401, %lt3A_407 : i32
      %ne3A_409 = arith.xori %lt3A_406, %lt3A_408 : i1
      %and3A_410 = arith.andi %ne3A_409, %ne3A_404 : i1
      %add3A_411 = arith.addi %rem3A_402, %select_n3A_401 : i32
      %select_n3A_412 = arith.select %and3A_410, %add3A_411, %rem3A_402 : i32
      %add3A_413 = arith.addi %mul3A_4, %select_n3A_412 : i32
      %dma_start3A_414 = arith.constant 0 : i32
      %dma_start3A_415 = arith.constant 0 : i32
      %dma_start3A_416 = arith.constant 0 : i32
      %dma_start3A_417 = tpu.memref_slice %arg8[%dma_start3A_414, %dma_start3A_415, %dma_start3A_416] : memref<8x8x133xf32, #tpu.memory_space<vmem>> -> memref<8x8x128xf32, #tpu.memory_space<vmem>>
      %dma_start3A_418 = arith.constant 0 : i32
      %dma_start3A_419 = arith.constant 0 : i32
      %dma_start3A_420 = arith.constant 0 : i32
      %dma_start3A_421 = arith.constant 0 : i32
      %dma_start3A_422 = tpu.memref_slice %arg4[%select_n3A_396, %dma_start3A_418, %dma_start3A_419, %dma_start3A_420, %dma_start3A_421] : memref<50x8x128x8x128xf32, #tpu.memory_space<hbm>> -> memref<1x8x128x8x128xf32, #tpu.memory_space<hbm>>
      %dma_start3A_423 = tpu.memref_squeeze %dma_start3A_422 : memref<1x8x128x8x128xf32, #tpu.memory_space<hbm>> -> memref<8x128x8x128xf32, #tpu.memory_space<hbm>>
      %dma_start3A_424 = arith.constant 0 : i32
      %dma_start3A_425 = arith.constant 0 : i32
      %dma_start3A_426 = arith.constant 0 : i32
      %dma_start3A_427 = tpu.memref_slice %dma_start3A_423[%dma_start3A_424, %add3A_413, %dma_start3A_425, %dma_start3A_426] : memref<8x128x8x128xf32, #tpu.memory_space<hbm>> -> memref<8x1x8x128xf32, #tpu.memory_space<hbm>>
      %dma_start3A_428 = tpu.memref_squeeze %dma_start3A_427 : memref<8x1x8x128xf32, #tpu.memory_space<hbm>> -> memref<8x8x128xf32, #tpu.memory_space<hbm>>
      %dma_start3A_429 = arith.constant 0 : i32
      %dma_start3A_430 = arith.constant 0 : i32
      %dma_start3A_431 = arith.constant 0 : i32
      %dma_start3A_432 = arith.constant 0 : i32
      %dma_start3A_433 = tpu.memref_slice %arg4[%select_n3A_396, %dma_start3A_429, %dma_start3A_430, %dma_start3A_431, %dma_start3A_432] : memref<50x8x128x8x128xf32, #tpu.memory_space<hbm>> -> memref<1x8x128x8x128xf32, #tpu.memory_space<hbm>>
      %dma_start3A_434 = tpu.memref_squeeze %dma_start3A_433 : memref<1x8x128x8x128xf32, #tpu.memory_space<hbm>> -> memref<8x128x8x128xf32, #tpu.memory_space<hbm>>
      %dma_start3A_435 = arith.constant 0 : i32
      %dma_start3A_436 = arith.constant 0 : i32
      %dma_start3A_437 = arith.constant 0 : i32
      %dma_start3A_438 = tpu.memref_slice %dma_start3A_434[%dma_start3A_435, %add3A_413, %dma_start3A_436, %dma_start3A_437] : memref<8x128x8x128xf32, #tpu.memory_space<hbm>> -> memref<8x1x8x128xf32, #tpu.memory_space<hbm>>
      %dma_start3A_439 = tpu.memref_squeeze %dma_start3A_438 : memref<8x1x8x128xf32, #tpu.memory_space<hbm>> -> memref<8x8x128xf32, #tpu.memory_space<hbm>>
      %dma_start3A_440 = arith.constant 0 : i32
      %dma_start3A_441 = arith.constant 0 : i32
      %dma_start3A_442 = arith.constant 0 : i32
      %dma_start3A_443 = tpu.memref_slice %arg8[%dma_start3A_440, %dma_start3A_441, %dma_start3A_442] : memref<8x8x133xf32, #tpu.memory_space<vmem>> -> memref<8x8x128xf32, #tpu.memory_space<vmem>>
      tpu.enqueue_dma source(%dma_start3A_443 : memref<8x8x128xf32, #tpu.memory_space<vmem>>) target(%dma_start3A_439 : memref<8x8x128xf32, #tpu.memory_space<hbm>>) target_semaphore(%arg12 : memref<!tpu.dma_semaphore, #tpu.memory_space<semaphore_mem>>)
      %add3A_444 = arith.constant 1 : i32
      %add3A_445 = arith.addi %add3A_311, %add3A_444 : i32
      %add3A_446 = arith.constant 1 : i32
      %add3A_447 = arith.addi %add3A_445, %add3A_446 : i32
      %lt3A_448 = arith.constant 200 : i32
      %lt3A_449 = arith.cmpi slt, %add3A_447, %lt3A_448 : i32
      %convert_element_type3A_450 = arith.extui %lt3A_449 : i1 to i32
      %cond3A_451 = arith.constant 0 : i32
      %cond3A_452 = arith.cmpi ne, %convert_element_type3A_450, %cond3A_451 : i32
      scf.if %cond3A_452 {
        %add3A_580 = arith.constant 1 : i32
        %add3A_581 = arith.addi %add3A_445, %add3A_580 : i32
        %jit3A_582 = arith.constant 4 : i32
        %div3A_583 = arith.divsi %add3A_581, %jit3A_582 : i32
        %sign3A_584 = arith.constant 0 : i32
        %sign3A_585 = arith.cmpi sgt, %add3A_581, %sign3A_584 : i32
        %sign3A_586 = arith.extui %sign3A_585 : i1 to i32
        %sign3A_587 = arith.constant 0 : i32
        %sign3A_588 = arith.cmpi slt, %add3A_581, %sign3A_587 : i32
        %sign3A_589 = arith.extui %sign3A_588 : i1 to i32
        %sign3A_590 = arith.subi %sign3A_586, %sign3A_589 : i32
        %sign3A_591 = arith.constant 0 : i32
        %sign3A_592 = arith.cmpi sgt, %jit3A_582, %sign3A_591 : i32
        %sign3A_593 = arith.extui %sign3A_592 : i1 to i32
        %sign3A_594 = arith.constant 0 : i32
        %sign3A_595 = arith.cmpi slt, %jit3A_582, %sign3A_594 : i32
        %sign3A_596 = arith.extui %sign3A_595 : i1 to i32
        %sign3A_597 = arith.subi %sign3A_593, %sign3A_596 : i32
        %ne3A_598 = arith.cmpi ne, %sign3A_590, %sign3A_597 : i32
        %rem3A_599 = arith.remsi %add3A_581, %jit3A_582 : i32
        %ne3A_600 = arith.constant 0 : i32
        %ne3A_601 = arith.cmpi ne, %rem3A_599, %ne3A_600 : i32
        %and3A_602 = arith.andi %ne3A_598, %ne3A_601 : i1
        %sub3A_603 = arith.constant 1 : i32
        %sub3A_604 = arith.subi %div3A_583, %sub3A_603 : i32
        %select_n3A_605 = arith.select %and3A_602, %sub3A_604, %div3A_583 : i32
        %jit3A_606 = arith.constant 4 : i32
        %eq3A_607 = arith.constant 0 : i32
        %eq3A_608 = arith.cmpi eq, %jit3A_606, %eq3A_607 : i32
        %jit3A_609 = arith.constant 1 : i32
        %select_n3A_610 = arith.select %eq3A_608, %jit3A_609, %jit3A_606 : i32
        %rem3A_611 = arith.remsi %add3A_581, %select_n3A_610 : i32
        %ne3A_612 = arith.constant 0 : i32
        %ne3A_613 = arith.cmpi ne, %rem3A_611, %ne3A_612 : i32
        %lt3A_614 = arith.constant 0 : i32
        %lt3A_615 = arith.cmpi slt, %rem3A_611, %lt3A_614 : i32
        %lt3A_616 = arith.constant 0 : i32
        %lt3A_617 = arith.cmpi slt, %select_n3A_610, %lt3A_616 : i32
        %ne3A_618 = arith.xori %lt3A_615, %lt3A_617 : i1
        %and3A_619 = arith.andi %ne3A_618, %ne3A_613 : i1
        %add3A_620 = arith.addi %rem3A_611, %select_n3A_610 : i32
        %select_n3A_621 = arith.select %and3A_619, %add3A_620, %rem3A_611 : i32
        %mul3A_622 = arith.constant 128 : i32
        %mul3A_623 = arith.muli %select_n3A_621, %mul3A_622 : i32
        %multiple_of3A_624 = tpu.assume_multiple %mul3A_623, 128 : i32
        %dma_start3A_625 = tpu.memref_slice %arg5[%select_n3A_605, %multiple_of3A_624] : memref<50x512xi32, #tpu.memory_space<vmem>> -> memref<1x128xi32, #tpu.memory_space<vmem>>
        %dma_start3A_626 = tpu.memref_squeeze %dma_start3A_625 : memref<1x128xi32, #tpu.memory_space<vmem>> -> memref<128xi32, #tpu.memory_space<vmem>>
        %dma_start3A_627 = arith.constant 0 : i32
        %dma_start3A_628 = arith.constant 0 : i32
        %dma_start3A_629 = tpu.memref_slice %arg3[%dma_start3A_627, %dma_start3A_628] : memref<1000000x64xf32, #tpu.memory_space<hbm>> -> memref<1000000x64xf32, #tpu.memory_space<hbm>>
        tpu.enqueue_indirect_dma source(%dma_start3A_629 : memref<1000000x64xf32, #tpu.memory_space<hbm>>) target(%arg6 : memref<128x64xf32, #tpu.memory_space<vmem>>) offsets(%dma_start3A_626 : memref<128xi32, #tpu.memory_space<vmem>>) semaphore(%arg10 : memref<!tpu.dma_semaphore, #tpu.memory_space<semaphore_mem>>)
      } else {
      }
      %jit3A_453 = arith.constant 4 : i32
      %div3A_454 = arith.divsi %add3A_445, %jit3A_453 : i32
      %sign3A_455 = arith.constant 0 : i32
      %sign3A_456 = arith.cmpi sgt, %add3A_445, %sign3A_455 : i32
      %sign3A_457 = arith.extui %sign3A_456 : i1 to i32
      %sign3A_458 = arith.constant 0 : i32
      %sign3A_459 = arith.cmpi slt, %add3A_445, %sign3A_458 : i32
      %sign3A_460 = arith.extui %sign3A_459 : i1 to i32
      %sign3A_461 = arith.subi %sign3A_457, %sign3A_460 : i32
      %sign3A_462 = arith.constant 0 : i32
      %sign3A_463 = arith.cmpi sgt, %jit3A_453, %sign3A_462 : i32
      %sign3A_464 = arith.extui %sign3A_463 : i1 to i32
      %sign3A_465 = arith.constant 0 : i32
      %sign3A_466 = arith.cmpi slt, %jit3A_453, %sign3A_465 : i32
      %sign3A_467 = arith.extui %sign3A_466 : i1 to i32
      %sign3A_468 = arith.subi %sign3A_464, %sign3A_467 : i32
      %ne3A_469 = arith.cmpi ne, %sign3A_461, %sign3A_468 : i32
      %rem3A_470 = arith.remsi %add3A_445, %jit3A_453 : i32
      %ne3A_471 = arith.constant 0 : i32
      %ne3A_472 = arith.cmpi ne, %rem3A_470, %ne3A_471 : i32
      %and3A_473 = arith.andi %ne3A_469, %ne3A_472 : i1
      %sub3A_474 = arith.constant 1 : i32
      %sub3A_475 = arith.subi %div3A_454, %sub3A_474 : i32
      %select_n3A_476 = arith.select %and3A_473, %sub3A_475, %div3A_454 : i32
      %jit3A_477 = arith.constant 4 : i32
      %eq3A_478 = arith.constant 0 : i32
      %eq3A_479 = arith.cmpi eq, %jit3A_477, %eq3A_478 : i32
      %jit3A_480 = arith.constant 1 : i32
      %select_n3A_481 = arith.select %eq3A_479, %jit3A_480, %jit3A_477 : i32
      %rem3A_482 = arith.remsi %add3A_445, %select_n3A_481 : i32
      %ne3A_483 = arith.constant 0 : i32
      %ne3A_484 = arith.cmpi ne, %rem3A_482, %ne3A_483 : i32
      %lt3A_485 = arith.constant 0 : i32
      %lt3A_486 = arith.cmpi slt, %rem3A_482, %lt3A_485 : i32
      %lt3A_487 = arith.constant 0 : i32
      %lt3A_488 = arith.cmpi slt, %select_n3A_481, %lt3A_487 : i32
      %ne3A_489 = arith.xori %lt3A_486, %lt3A_488 : i1
      %and3A_490 = arith.andi %ne3A_489, %ne3A_484 : i1
      %add3A_491 = arith.addi %rem3A_482, %select_n3A_481 : i32
      %select_n3A_492 = arith.select %and3A_490, %add3A_491, %rem3A_482 : i32
      %mul3A_493 = arith.constant 128 : i32
      %mul3A_494 = arith.muli %select_n3A_492, %mul3A_493 : i32
      %multiple_of3A_495 = tpu.assume_multiple %mul3A_494, 128 : i32
      %dma_wait3A_496 = tpu.memref_slice %arg5[%select_n3A_476, %multiple_of3A_495] : memref<50x512xi32, #tpu.memory_space<vmem>> -> memref<1x128xi32, #tpu.memory_space<vmem>>
      %dma_wait3A_497 = tpu.memref_squeeze %dma_wait3A_496 : memref<1x128xi32, #tpu.memory_space<vmem>> -> memref<128xi32, #tpu.memory_space<vmem>>
      %dma_wait3A_498 = arith.constant 0 : i32
      %dma_wait3A_499 = arith.constant 0 : i32
      %dma_wait3A_500 = tpu.memref_slice %arg3[%dma_wait3A_498, %dma_wait3A_499] : memref<1000000x64xf32, #tpu.memory_space<hbm>> -> memref<1000000x64xf32, #tpu.memory_space<hbm>>
      tpu.wait_indirect_dma semaphore(%arg11 : memref<!tpu.dma_semaphore, #tpu.memory_space<semaphore_mem>>) src(%dma_wait3A_500 : memref<1000000x64xf32, #tpu.memory_space<hbm>>) dst(%arg7 : memref<128x64xf32, #tpu.memory_space<vmem>>)
      %ge3A_501 = arith.constant 2 : i32
      %ge3A_502 = arith.cmpi sge, %add3A_445, %ge3A_501 : i32
      %convert_element_type3A_503 = arith.extui %ge3A_502 : i1 to i32
      %cond3A_504 = arith.constant 0 : i32
      %cond3A_505 = arith.cmpi ne, %convert_element_type3A_503, %cond3A_504 : i32
      scf.if %cond3A_505 {
        %sub3A_580 = arith.constant 2 : i32
        %sub3A_581 = arith.subi %add3A_445, %sub3A_580 : i32
        %jit3A_582 = arith.constant 4 : i32
        %div3A_583 = arith.divsi %sub3A_581, %jit3A_582 : i32
        %sign3A_584 = arith.constant 0 : i32
        %sign3A_585 = arith.cmpi sgt, %sub3A_581, %sign3A_584 : i32
        %sign3A_586 = arith.extui %sign3A_585 : i1 to i32
        %sign3A_587 = arith.constant 0 : i32
        %sign3A_588 = arith.cmpi slt, %sub3A_581, %sign3A_587 : i32
        %sign3A_589 = arith.extui %sign3A_588 : i1 to i32
        %sign3A_590 = arith.subi %sign3A_586, %sign3A_589 : i32
        %sign3A_591 = arith.constant 0 : i32
        %sign3A_592 = arith.cmpi sgt, %jit3A_582, %sign3A_591 : i32
        %sign3A_593 = arith.extui %sign3A_592 : i1 to i32
        %sign3A_594 = arith.constant 0 : i32
        %sign3A_595 = arith.cmpi slt, %jit3A_582, %sign3A_594 : i32
        %sign3A_596 = arith.extui %sign3A_595 : i1 to i32
        %sign3A_597 = arith.subi %sign3A_593, %sign3A_596 : i32
        %ne3A_598 = arith.cmpi ne, %sign3A_590, %sign3A_597 : i32
        %rem3A_599 = arith.remsi %sub3A_581, %jit3A_582 : i32
        %ne3A_600 = arith.constant 0 : i32
        %ne3A_601 = arith.cmpi ne, %rem3A_599, %ne3A_600 : i32
        %and3A_602 = arith.andi %ne3A_598, %ne3A_601 : i1
        %sub3A_603 = arith.constant 1 : i32
        %sub3A_604 = arith.subi %div3A_583, %sub3A_603 : i32
        %select_n3A_605 = arith.select %and3A_602, %sub3A_604, %div3A_583 : i32
        %jit3A_606 = arith.constant 4 : i32
        %eq3A_607 = arith.constant 0 : i32
        %eq3A_608 = arith.cmpi eq, %jit3A_606, %eq3A_607 : i32
        %jit3A_609 = arith.constant 1 : i32
        %select_n3A_610 = arith.select %eq3A_608, %jit3A_609, %jit3A_606 : i32
        %rem3A_611 = arith.remsi %sub3A_581, %select_n3A_610 : i32
        %ne3A_612 = arith.constant 0 : i32
        %ne3A_613 = arith.cmpi ne, %rem3A_611, %ne3A_612 : i32
        %lt3A_614 = arith.constant 0 : i32
        %lt3A_615 = arith.cmpi slt, %rem3A_611, %lt3A_614 : i32
        %lt3A_616 = arith.constant 0 : i32
        %lt3A_617 = arith.cmpi slt, %select_n3A_610, %lt3A_616 : i32
        %ne3A_618 = arith.xori %lt3A_615, %lt3A_617 : i1
        %and3A_619 = arith.andi %ne3A_618, %ne3A_613 : i1
        %add3A_620 = arith.addi %rem3A_611, %select_n3A_610 : i32
        %select_n3A_621 = arith.select %and3A_619, %add3A_620, %rem3A_611 : i32
        %add3A_622 = arith.addi %mul3A_4, %select_n3A_621 : i32
        %dma_wait3A_623 = arith.constant 0 : i32
        %dma_wait3A_624 = arith.constant 0 : i32
        %dma_wait3A_625 = arith.constant 0 : i32
        %dma_wait3A_626 = tpu.memref_slice %arg9[%dma_wait3A_623, %dma_wait3A_624, %dma_wait3A_625] : memref<8x8x133xf32, #tpu.memory_space<vmem>> -> memref<8x8x128xf32, #tpu.memory_space<vmem>>
        %dma_wait3A_627 = arith.constant 0 : i32
        %dma_wait3A_628 = arith.constant 0 : i32
        %dma_wait3A_629 = arith.constant 0 : i32
        %dma_wait3A_630 = arith.constant 0 : i32
        %dma_wait3A_631 = tpu.memref_slice %arg4[%select_n3A_605, %dma_wait3A_627, %dma_wait3A_628, %dma_wait3A_629, %dma_wait3A_630] : memref<50x8x128x8x128xf32, #tpu.memory_space<hbm>> -> memref<1x8x128x8x128xf32, #tpu.memory_space<hbm>>
        %dma_wait3A_632 = tpu.memref_squeeze %dma_wait3A_631 : memref<1x8x128x8x128xf32, #tpu.memory_space<hbm>> -> memref<8x128x8x128xf32, #tpu.memory_space<hbm>>
        %dma_wait3A_633 = arith.constant 0 : i32
        %dma_wait3A_634 = arith.constant 0 : i32
        %dma_wait3A_635 = arith.constant 0 : i32
        %dma_wait3A_636 = tpu.memref_slice %dma_wait3A_632[%dma_wait3A_633, %add3A_622, %dma_wait3A_634, %dma_wait3A_635] : memref<8x128x8x128xf32, #tpu.memory_space<hbm>> -> memref<8x1x8x128xf32, #tpu.memory_space<hbm>>
        %dma_wait3A_637 = tpu.memref_squeeze %dma_wait3A_636 : memref<8x1x8x128xf32, #tpu.memory_space<hbm>> -> memref<8x8x128xf32, #tpu.memory_space<hbm>>
        %dma_wait3A_638 = arith.constant 0 : i32
        %dma_wait3A_639 = arith.constant 0 : i32
        %dma_wait3A_640 = arith.constant 0 : i32
        %dma_wait3A_641 = arith.constant 0 : i32
        %dma_wait3A_642 = tpu.memref_slice %arg4[%select_n3A_605, %dma_wait3A_638, %dma_wait3A_639, %dma_wait3A_640, %dma_wait3A_641] : memref<50x8x128x8x128xf32, #tpu.memory_space<hbm>> -> memref<1x8x128x8x128xf32, #tpu.memory_space<hbm>>
        %dma_wait3A_643 = tpu.memref_squeeze %dma_wait3A_642 : memref<1x8x128x8x128xf32, #tpu.memory_space<hbm>> -> memref<8x128x8x128xf32, #tpu.memory_space<hbm>>
        %dma_wait3A_644 = arith.constant 0 : i32
        %dma_wait3A_645 = arith.constant 0 : i32
        %dma_wait3A_646 = arith.constant 0 : i32
        %dma_wait3A_647 = tpu.memref_slice %dma_wait3A_643[%dma_wait3A_644, %add3A_622, %dma_wait3A_645, %dma_wait3A_646] : memref<8x128x8x128xf32, #tpu.memory_space<hbm>> -> memref<8x1x8x128xf32, #tpu.memory_space<hbm>>
        %dma_wait3A_648 = tpu.memref_squeeze %dma_wait3A_647 : memref<8x1x8x128xf32, #tpu.memory_space<hbm>> -> memref<8x8x128xf32, #tpu.memory_space<hbm>>
        %dma_wait3A_649 = arith.constant 0 : i32
        %dma_wait3A_650 = arith.constant 0 : i32
        %dma_wait3A_651 = arith.constant 0 : i32
        %dma_wait3A_652 = tpu.memref_slice %arg9[%dma_wait3A_649, %dma_wait3A_650, %dma_wait3A_651] : memref<8x8x133xf32, #tpu.memory_space<vmem>> -> memref<8x8x128xf32, #tpu.memory_space<vmem>>
        tpu.wait_dma2 semaphore(%arg13 : memref<!tpu.dma_semaphore, #tpu.memory_space<semaphore_mem>>) src(%dma_wait3A_652 : memref<8x8x128xf32, #tpu.memory_space<vmem>>) dst(%dma_wait3A_648 : memref<8x8x128xf32, #tpu.memory_space<hbm>>)
      } else {
      }
      %parallel_loop3A_506 = arith.constant 0 : i32
      %parallel_loop3A_507 = arith.constant 128 : i32
      %parallel_loop3A_508 = arith.constant 1 : i32
      scf.for %parallel_loop3A_580 = %parallel_loop3A_506 to %parallel_loop3A_507 step %parallel_loop3A_508  : i32 {
        %parallel_loop3A_581 = vector.broadcast %parallel_loop3A_580 : i32 to vector<16xi32>
        %parallel_loop3A_582 = arith.constant 0 : i32
        %parallel_loop3A_583 = tpu.assume_multiple %parallel_loop3A_582, 16 : i32
        %parallel_loop3A_584 = arith.index_cast %parallel_loop3A_580 : i32 to index
        %parallel_loop3A_585 = arith.index_cast %parallel_loop3A_583 : i32 to index
        %parallel_loop3A_586 = tpu.vector_load %arg7[%parallel_loop3A_584, %parallel_loop3A_585] {strides = array<i32>} : memref<128x64xf32, #tpu.memory_space<vmem>>, vector<16xf32>,
        tpu.vector_store_idx %arg9[%select_n3A, %select_n3A_53, %parallel_loop3A_581], %parallel_loop3A_586 : memref<8x8x133xf32, #tpu.memory_space<vmem>>[vector<16xi32>, vector<16xi32>, vector<16xi32>], vector<16xf32>,
        %parallel_loop3A_587 = arith.constant 16 : i32
        %parallel_loop3A_588 = tpu.assume_multiple %parallel_loop3A_587, 16 : i32
        %parallel_loop3A_589 = arith.index_cast %parallel_loop3A_580 : i32 to index
        %parallel_loop3A_590 = arith.index_cast %parallel_loop3A_588 : i32 to index
        %parallel_loop3A_591 = tpu.vector_load %arg7[%parallel_loop3A_589, %parallel_loop3A_590] {strides = array<i32>} : memref<128x64xf32, #tpu.memory_space<vmem>>, vector<16xf32>,
        tpu.vector_store_idx %arg9[%select_n3A_87, %select_n3A_112, %parallel_loop3A_581], %parallel_loop3A_591 : memref<8x8x133xf32, #tpu.memory_space<vmem>>[vector<16xi32>, vector<16xi32>, vector<16xi32>], vector<16xf32>,
        %parallel_loop3A_592 = arith.constant 32 : i32
        %parallel_loop3A_593 = tpu.assume_multiple %parallel_loop3A_592, 16 : i32
        %parallel_loop3A_594 = arith.index_cast %parallel_loop3A_580 : i32 to index
        %parallel_loop3A_595 = arith.index_cast %parallel_loop3A_593 : i32 to index
        %parallel_loop3A_596 = tpu.vector_load %arg7[%parallel_loop3A_594, %parallel_loop3A_595] {strides = array<i32>} : memref<128x64xf32, #tpu.memory_space<vmem>>, vector<16xf32>,
        tpu.vector_store_idx %arg9[%select_n3A_146, %select_n3A_171, %parallel_loop3A_581], %parallel_loop3A_596 : memref<8x8x133xf32, #tpu.memory_space<vmem>>[vector<16xi32>, vector<16xi32>, vector<16xi32>], vector<16xf32>,
        %parallel_loop3A_597 = arith.constant 48 : i32
        %parallel_loop3A_598 = tpu.assume_multiple %parallel_loop3A_597, 16 : i32
        %parallel_loop3A_599 = arith.index_cast %parallel_loop3A_580 : i32 to index
        %parallel_loop3A_600 = arith.index_cast %parallel_loop3A_598 : i32 to index
        %parallel_loop3A_601 = tpu.vector_load %arg7[%parallel_loop3A_599, %parallel_loop3A_600] {strides = array<i32>} : memref<128x64xf32, #tpu.memory_space<vmem>>, vector<16xf32>,
        tpu.vector_store_idx %arg9[%select_n3A_205, %select_n3A_230, %parallel_loop3A_581], %parallel_loop3A_601 : memref<8x8x133xf32, #tpu.memory_space<vmem>>[vector<16xi32>, vector<16xi32>, vector<16xi32>], vector<16xf32>,
      } {sc.loop_unroll_factor = 8 : i64, sc.parallel_access}
      %jit3A_509 = arith.constant 4 : i32
      %div3A_510 = arith.divsi %add3A_445, %jit3A_509 : i32
      %sign3A_511 = arith.constant 0 : i32
      %sign3A_512 = arith.cmpi sgt, %add3A_445, %sign3A_511 : i32
      %sign3A_513 = arith.extui %sign3A_512 : i1 to i32
      %sign3A_514 = arith.constant 0 : i32
      %sign3A_515 = arith.cmpi slt, %add3A_445, %sign3A_514 : i32
      %sign3A_516 = arith.extui %sign3A_515 : i1 to i32
      %sign3A_517 = arith.subi %sign3A_513, %sign3A_516 : i32
      %sign3A_518 = arith.constant 0 : i32
      %sign3A_519 = arith.cmpi sgt, %jit3A_509, %sign3A_518 : i32
      %sign3A_520 = arith.extui %sign3A_519 : i1 to i32
      %sign3A_521 = arith.constant 0 : i32
      %sign3A_522 = arith.cmpi slt, %jit3A_509, %sign3A_521 : i32
      %sign3A_523 = arith.extui %sign3A_522 : i1 to i32
      %sign3A_524 = arith.subi %sign3A_520, %sign3A_523 : i32
      %ne3A_525 = arith.cmpi ne, %sign3A_517, %sign3A_524 : i32
      %rem3A_526 = arith.remsi %add3A_445, %jit3A_509 : i32
      %ne3A_527 = arith.constant 0 : i32
      %ne3A_528 = arith.cmpi ne, %rem3A_526, %ne3A_527 : i32
      %and3A_529 = arith.andi %ne3A_525, %ne3A_528 : i1
      %sub3A_530 = arith.constant 1 : i32
      %sub3A_531 = arith.subi %div3A_510, %sub3A_530 : i32
      %select_n3A_532 = arith.select %and3A_529, %sub3A_531, %div3A_510 : i32
      %jit3A_533 = arith.constant 4 : i32
      %eq3A_534 = arith.constant 0 : i32
      %eq3A_535 = arith.cmpi eq, %jit3A_533, %eq3A_534 : i32
      %jit3A_536 = arith.constant 1 : i32
      %select_n3A_537 = arith.select %eq3A_535, %jit3A_536, %jit3A_533 : i32
      %rem3A_538 = arith.remsi %add3A_445, %select_n3A_537 : i32
      %ne3A_539 = arith.constant 0 : i32
      %ne3A_540 = arith.cmpi ne, %rem3A_538, %ne3A_539 : i32
      %lt3A_541 = arith.constant 0 : i32
      %lt3A_542 = arith.cmpi slt, %rem3A_538, %lt3A_541 : i32
      %lt3A_543 = arith.constant 0 : i32
      %lt3A_544 = arith.cmpi slt, %select_n3A_537, %lt3A_543 : i32
      %ne3A_545 = arith.xori %lt3A_542, %lt3A_544 : i1
      %and3A_546 = arith.andi %ne3A_545, %ne3A_540 : i1
      %add3A_547 = arith.addi %rem3A_538, %select_n3A_537 : i32
      %select_n3A_548 = arith.select %and3A_546, %add3A_547, %rem3A_538 : i32
      %add3A_549 = arith.addi %mul3A_4, %select_n3A_548 : i32
      %dma_start3A_550 = arith.constant 0 : i32
      %dma_start3A_551 = arith.constant 0 : i32
      %dma_start3A_552 = arith.constant 0 : i32
      %dma_start3A_553 = tpu.memref_slice %arg9[%dma_start3A_550, %dma_start3A_551, %dma_start3A_552] : memref<8x8x133xf32, #tpu.memory_space<vmem>> -> memref<8x8x128xf32, #tpu.memory_space<vmem>>
      %dma_start3A_554 = arith.constant 0 : i32
      %dma_start3A_555 = arith.constant 0 : i32
      %dma_start3A_556 = arith.constant 0 : i32
      %dma_start3A_557 = arith.constant 0 : i32
      %dma_start3A_558 = tpu.memref_slice %arg4[%select_n3A_532, %dma_start3A_554, %dma_start3A_555, %dma_start3A_556, %dma_start3A_557] : memref<50x8x128x8x128xf32, #tpu.memory_space<hbm>> -> memref<1x8x128x8x128xf32, #tpu.memory_space<hbm>>
      %dma_start3A_559 = tpu.memref_squeeze %dma_start3A_558 : memref<1x8x128x8x128xf32, #tpu.memory_space<hbm>> -> memref<8x128x8x128xf32, #tpu.memory_space<hbm>>
      %dma_start3A_560 = arith.constant 0 : i32
      %dma_start3A_561 = arith.constant 0 : i32
      %dma_start3A_562 = arith.constant 0 : i32
      %dma_start3A_563 = tpu.memref_slice %dma_start3A_559[%dma_start3A_560, %add3A_549, %dma_start3A_561, %dma_start3A_562] : memref<8x128x8x128xf32, #tpu.memory_space<hbm>> -> memref<8x1x8x128xf32, #tpu.memory_space<hbm>>
      %dma_start3A_564 = tpu.memref_squeeze %dma_start3A_563 : memref<8x1x8x128xf32, #tpu.memory_space<hbm>> -> memref<8x8x128xf32, #tpu.memory_space<hbm>>
      %dma_start3A_565 = arith.constant 0 : i32
      %dma_start3A_566 = arith.constant 0 : i32
      %dma_start3A_567 = arith.constant 0 : i32
      %dma_start3A_568 = arith.constant 0 : i32
      %dma_start3A_569 = tpu.memref_slice %arg4[%select_n3A_532, %dma_start3A_565, %dma_start3A_566, %dma_start3A_567, %dma_start3A_568] : memref<50x8x128x8x128xf32, #tpu.memory_space<hbm>> -> memref<1x8x128x8x128xf32, #tpu.memory_space<hbm>>
      %dma_start3A_570 = tpu.memref_squeeze %dma_start3A_569 : memref<1x8x128x8x128xf32, #tpu.memory_space<hbm>> -> memref<8x128x8x128xf32, #tpu.memory_space<hbm>>
      %dma_start3A_571 = arith.constant 0 : i32
      %dma_start3A_572 = arith.constant 0 : i32
      %dma_start3A_573 = arith.constant 0 : i32
      %dma_start3A_574 = tpu.memref_slice %dma_start3A_570[%dma_start3A_571, %add3A_549, %dma_start3A_572, %dma_start3A_573] : memref<8x128x8x128xf32, #tpu.memory_space<hbm>> -> memref<8x1x8x128xf32, #tpu.memory_space<hbm>>
      %dma_start3A_575 = tpu.memref_squeeze %dma_start3A_574 : memref<8x1x8x128xf32, #tpu.memory_space<hbm>> -> memref<8x8x128xf32, #tpu.memory_space<hbm>>
      %dma_start3A_576 = arith.constant 0 : i32
      %dma_start3A_577 = arith.constant 0 : i32
      %dma_start3A_578 = arith.constant 0 : i32
      %dma_start3A_579 = tpu.memref_slice %arg9[%dma_start3A_576, %dma_start3A_577, %dma_start3A_578] : memref<8x8x133xf32, #tpu.memory_space<vmem>> -> memref<8x8x128xf32, #tpu.memory_space<vmem>>
      tpu.enqueue_dma source(%dma_start3A_579 : memref<8x8x128xf32, #tpu.memory_space<vmem>>) target(%dma_start3A_575 : memref<8x8x128xf32, #tpu.memory_space<hbm>>) target_semaphore(%arg13 : memref<!tpu.dma_semaphore, #tpu.memory_space<semaphore_mem>>)
    }
    %scan3A_241 = arith.constant 100 : i32
    %add3A_242 = arith.constant 2 : i32
    %add3A_243 = arith.addi %mul3A_4, %add3A_242 : i32
    %dma_wait3A = arith.constant 49 : i32
    %dma_wait3A_244 = arith.constant 0 : i32
    %dma_wait3A_245 = arith.constant 0 : i32
    %dma_wait3A_246 = arith.constant 0 : i32
    %dma_wait3A_247 = tpu.memref_slice %arg8[%dma_wait3A_244, %dma_wait3A_245, %dma_wait3A_246] : memref<8x8x133xf32, #tpu.memory_space<vmem>> -> memref<8x8x128xf32, #tpu.memory_space<vmem>>
    %dma_wait3A_248 = arith.constant 0 : i32
    %dma_wait3A_249 = arith.constant 0 : i32
    %dma_wait3A_250 = arith.constant 0 : i32
    %dma_wait3A_251 = arith.constant 0 : i32
    %dma_wait3A_252 = tpu.memref_slice %arg4[%dma_wait3A, %dma_wait3A_248, %dma_wait3A_249, %dma_wait3A_250, %dma_wait3A_251] : memref<50x8x128x8x128xf32, #tpu.memory_space<hbm>> -> memref<1x8x128x8x128xf32, #tpu.memory_space<hbm>>
    %dma_wait3A_253 = tpu.memref_squeeze %dma_wait3A_252 : memref<1x8x128x8x128xf32, #tpu.memory_space<hbm>> -> memref<8x128x8x128xf32, #tpu.memory_space<hbm>>
    %dma_wait3A_254 = arith.constant 0 : i32
    %dma_wait3A_255 = arith.constant 0 : i32
    %dma_wait3A_256 = arith.constant 0 : i32
    %dma_wait3A_257 = tpu.memref_slice %dma_wait3A_253[%dma_wait3A_254, %add3A_243, %dma_wait3A_255, %dma_wait3A_256] : memref<8x128x8x128xf32, #tpu.memory_space<hbm>> -> memref<8x1x8x128xf32, #tpu.memory_space<hbm>>
    %dma_wait3A_258 = tpu.memref_squeeze %dma_wait3A_257 : memref<8x1x8x128xf32, #tpu.memory_space<hbm>> -> memref<8x8x128xf32, #tpu.memory_space<hbm>>
    %dma_wait3A_259 = arith.constant 0 : i32
    %dma_wait3A_260 = arith.constant 0 : i32
    %dma_wait3A_261 = arith.constant 0 : i32
    %dma_wait3A_262 = arith.constant 0 : i32
    %dma_wait3A_263 = tpu.memref_slice %arg4[%dma_wait3A, %dma_wait3A_259, %dma_wait3A_260, %dma_wait3A_261, %dma_wait3A_262] : memref<50x8x128x8x128xf32, #tpu.memory_space<hbm>> -> memref<1x8x128x8x128xf32, #tpu.memory_space<hbm>>
    %dma_wait3A_264 = tpu.memref_squeeze %dma_wait3A_263 : memref<1x8x128x8x128xf32, #tpu.memory_space<hbm>> -> memref<8x128x8x128xf32, #tpu.memory_space<hbm>>
    %dma_wait3A_265 = arith.constant 0 : i32
    %dma_wait3A_266 = arith.constant 0 : i32
    %dma_wait3A_267 = arith.constant 0 : i32
    %dma_wait3A_268 = tpu.memref_slice %dma_wait3A_264[%dma_wait3A_265, %add3A_243, %dma_wait3A_266, %dma_wait3A_267] : memref<8x128x8x128xf32, #tpu.memory_space<hbm>> -> memref<8x1x8x128xf32, #tpu.memory_space<hbm>>
    %dma_wait3A_269 = tpu.memref_squeeze %dma_wait3A_268 : memref<8x1x8x128xf32, #tpu.memory_space<hbm>> -> memref<8x8x128xf32, #tpu.memory_space<hbm>>
    %dma_wait3A_270 = arith.constant 0 : i32
    %dma_wait3A_271 = arith.constant 0 : i32
    %dma_wait3A_272 = arith.constant 0 : i32
    %dma_wait3A_273 = tpu.memref_slice %arg8[%dma_wait3A_270, %dma_wait3A_271, %dma_wait3A_272] : memref<8x8x133xf32, #tpu.memory_space<vmem>> -> memref<8x8x128xf32, #tpu.memory_space<vmem>>
    tpu.wait_dma2 semaphore(%arg12 : memref<!tpu.dma_semaphore, #tpu.memory_space<semaphore_mem>>) src(%dma_wait3A_273 : memref<8x8x128xf32, #tpu.memory_space<vmem>>) dst(%dma_wait3A_269 : memref<8x8x128xf32, #tpu.memory_space<hbm>>)
    %add3A_274 = arith.constant 3 : i32
    %add3A_275 = arith.addi %mul3A_4, %add3A_274 : i32
    %dma_wait3A_276 = arith.constant 49 : i32
    %dma_wait3A_277 = arith.constant 0 : i32
    %dma_wait3A_278 = arith.constant 0 : i32
    %dma_wait3A_279 = arith.constant 0 : i32
    %dma_wait3A_280 = tpu.memref_slice %arg9[%dma_wait3A_277, %dma_wait3A_278, %dma_wait3A_279] : memref<8x8x133xf32, #tpu.memory_space<vmem>> -> memref<8x8x128xf32, #tpu.memory_space<vmem>>
    %dma_wait3A_281 = arith.constant 0 : i32
    %dma_wait3A_282 = arith.constant 0 : i32
    %dma_wait3A_283 = arith.constant 0 : i32
    %dma_wait3A_284 = arith.constant 0 : i32
    %dma_wait3A_285 = tpu.memref_slice %arg4[%dma_wait3A_276, %dma_wait3A_281, %dma_wait3A_282, %dma_wait3A_283, %dma_wait3A_284] : memref<50x8x128x8x128xf32, #tpu.memory_space<hbm>> -> memref<1x8x128x8x128xf32, #tpu.memory_space<hbm>>
    %dma_wait3A_286 = tpu.memref_squeeze %dma_wait3A_285 : memref<1x8x128x8x128xf32, #tpu.memory_space<hbm>> -> memref<8x128x8x128xf32, #tpu.memory_space<hbm>>
    %dma_wait3A_287 = arith.constant 0 : i32
    %dma_wait3A_288 = arith.constant 0 : i32
    %dma_wait3A_289 = arith.constant 0 : i32
    %dma_wait3A_290 = tpu.memref_slice %dma_wait3A_286[%dma_wait3A_287, %add3A_275, %dma_wait3A_288, %dma_wait3A_289] : memref<8x128x8x128xf32, #tpu.memory_space<hbm>> -> memref<8x1x8x128xf32, #tpu.memory_space<hbm>>
    %dma_wait3A_291 = tpu.memref_squeeze %dma_wait3A_290 : memref<8x1x8x128xf32, #tpu.memory_space<hbm>> -> memref<8x8x128xf32, #tpu.memory_space<hbm>>
    %dma_wait3A_292 = arith.constant 0 : i32
    %dma_wait3A_293 = arith.constant 0 : i32
    %dma_wait3A_294 = arith.constant 0 : i32
    %dma_wait3A_295 = arith.constant 0 : i32
    %dma_wait3A_296 = tpu.memref_slice %arg4[%dma_wait3A_276, %dma_wait3A_292, %dma_wait3A_293, %dma_wait3A_294, %dma_wait3A_295] : memref<50x8x128x8x128xf32, #tpu.memory_space<hbm>> -> memref<1x8x128x8x128xf32, #tpu.memory_space<hbm>>
    %dma_wait3A_297 = tpu.memref_squeeze %dma_wait3A_296 : memref<1x8x128x8x128xf32, #tpu.memory_space<hbm>> -> memref<8x128x8x128xf32, #tpu.memory_space<hbm>>
    %dma_wait3A_298 = arith.constant 0 : i32
    %dma_wait3A_299 = arith.constant 0 : i32
    %dma_wait3A_300 = arith.constant 0 : i32
    %dma_wait3A_301 = tpu.memref_slice %dma_wait3A_297[%dma_wait3A_298, %add3A_275, %dma_wait3A_299, %dma_wait3A_300] : memref<8x128x8x128xf32, #tpu.memory_space<hbm>> -> memref<8x1x8x128xf32, #tpu.memory_space<hbm>>
    %dma_wait3A_302 = tpu.memref_squeeze %dma_wait3A_301 : memref<8x1x8x128xf32, #tpu.memory_space<hbm>> -> memref<8x8x128xf32, #tpu.memory_space<hbm>>
    %dma_wait3A_303 = arith.constant 0 : i32
    %dma_wait3A_304 = arith.constant 0 : i32
    %dma_wait3A_305 = arith.constant 0 : i32
    %dma_wait3A_306 = tpu.memref_slice %arg9[%dma_wait3A_303, %dma_wait3A_304, %dma_wait3A_305] : memref<8x8x133xf32, #tpu.memory_space<vmem>> -> memref<8x8x128xf32, #tpu.memory_space<vmem>>
    tpu.wait_dma2 semaphore(%arg13 : memref<!tpu.dma_semaphore, #tpu.memory_space<semaphore_mem>>) src(%dma_wait3A_306 : memref<8x8x128xf32, #tpu.memory_space<vmem>>) dst(%dma_wait3A_302 : memref<8x8x128xf32, #tpu.memory_space<hbm>>)
    return
  }
}

</mosaic_0001>

<sc_bundles>
// kernel: kernel.3.cloned.1.call-start
scs
__scs_entry_jumppad:
0x0: {  	(pc) =	sbr.rel $0x88, $3  }
0x1: {  	(tag) =	ssettag $0x0;
	lr =	simm.s32 $0x1  }
0x2: {  	[smem:$0x3F9F] =	sst lr;
	_ =	strace $0xD0000000  }
0x3: {  	_ = 	snop  }
0x4: {  	_ = 	snop  }
0x5: {  	_ = 	snop  }
0x6: {  	_ = 	snop  }
0x7: {  	_ = 	snop  }
__scs_overlays_trampoline_lowered:
0x8: {  	[smem:$0x3FAE] =	sst s0  }
0x9: {  	[smem:$0x3FAF] =	sst s1  }
0xa: {  	[smem:$0x3FB0] =	sst s2  }
0xb: {  	[smem:$0x3FB1] =	sst s3  }
0xc: {  	[smem:$0x3FB2] =	sst s4  }
0xd: {  	[smem:$0x3FB3] =	sst s5  }
0xe: {  	[smem:$0x3FB4] =	sst s6  }
0xf: {  	[smem:$0x3FB5] =	sst s7  }
0x10: {  	[smem:$0x3FB6] =	sst s8  }
0x11: {  	[smem:$0x3FB7] =	sst s9;
	s0 =	simm.s32 @!p0 $0x0  }
0x12: {  	s1 =	sld [smem:$0x3F9D];
	s0 =	simm.s32 @p0 $0x1  }
0x13: {  	[smem:$0x3FB8] =	sst s0;
	s0 =	simm.s32 @!p1 $0x0  }
0x14: {  	s2 =	sld [smem:$0x3F9C];
	s0 =	simm.s32 @p1 $0x1  }
0x15: {  	[smem:$0x3FB9] =	sst s0;
	s0 =	simm.s32 @!p2 $0x0  }
0x16: {  	s3 =	sld [smem:$0x3FDB];
	s0 =	simm.s32 @p2 $0x1  }
0x17: {  	s4 =	simm.s32 $0x1BF5;
	[smem:$0x3FBB] =	sst s0  }
0x18: {  	s0 =	sld [smem:$0x3F9E];
	_ =	swait.ge [sflag:s4], $0x0  }
0x19: {  	s7 =	sld [smem:$0x3F9F]  }
0x1a: {  	s8 =	sadd.s32 $0xFFFFE003, lr  }
0x1b: {  	s9 =	sadd.s32 $0xFFFFFEF7, lr;
	s5 =	simm.s32 $0xFFFFFFFF;
	p2 =	slt.u32 s8, $0xFFFFF086  }
0x1c: {  	p1 =	slt.u32 s9, $0xF7A;
	s5 =	simm.s32 @!p2 $0x0  }
0x1d: {  	s5 =	simm.s32 @p1 $0x1;
	p0 =	seq.s32 s7, s2  }
0x1e: {  	s7 =	smul.u32 @!p0 $0xF7A, s2;
	p2 =	seq.s32 @!p0 s5, $0x0  }
0x1f: {  	s9 =	smul.u32 $0xF7A, s1;
	s8 =	simm.s32 @!p0 $0x1BF5;
	p2 =	por !p2, p0  }
0x20: {  	[sflag:s8] =	ssyncset.s32 @!p0 $0xFFFFF086;
	s6 =	sadd.s32 @!p0 s3, s7;
	s7 =	simm.s32 @!p0 $0x108  }
0x21: {  	s3 =	sadd.s32 s3, s9;
	s6 =	sadd.s32 @!p0 $0x88, s6;
	s7 =	simm.s32 @p2 $0x1082  }
0x22: {  	[simem:s7], [sflag:s8] =	dma.local @!p0 [hbm:s6], $0xF7A  }
0x23: {  	s9 =	sor.u32 $0xD0000000, s2;
	s6 =	simm.s32 $0x108;
	_ =	swait.ge @!p0 [sflag:s8], $0x0  }
0x24: {  	s3 =	sadd.s32 $0x88, s3;
	s6 =	simm.s32 @!p1 $0x1082;
	[sflag:s4] =	ssyncset.s32 $0xFFFFF086  }
0x25: {  	[simem:s6], [sflag:s4] =	dma.local [hbm:s3], $0xF7A  }
0x26: {  	[smem:$0x3F9F] =	sst s1;
	(tag) =	ssettag s2;
	_ =	strace s9  }
0x27: {  	s1 =	sld [smem:$0x3FAF]  }
0x28: {  	s2 =	sld [smem:$0x3FB0]  }
0x29: {  	s4 =	sld [smem:$0x3FB2]  }
0x2a: {  	p0 =	seq.s32 s5, $0x0;
	s5 =	sld [smem:$0x3FB3]  }
0x2b: {  	s6 =	sld [smem:$0x3FB4]  }
0x2c: {  	s7 =	sld [smem:$0x3FB5]  }
0x2d: {  	s3 =	simm.s32 $0x108;
	s8 =	sld [smem:$0x3FB6]  }
0x2e: {  	s3 =	simm.s32 @!p0 $0x1082;
	s9 =	sld [smem:$0x3FB7]  }
0x2f: {  	lr =	sadd.s32 s0, s3;
	s0 =	sld [smem:$0x3FAE]  }
0x30: {  	s3 =	sld [smem:$0x3FB1]  }
0x31: {  	[smem:$0x3FBA] =	sst s10  }
0x32: {  	s10 =	sld [smem:$0x3FB8];
	_ =	sdelay $0x3  }
0x33: {  	p0 =	seq.s32 s10, $0x1;
	s10 =	sld [smem:$0x3FBA];
	_ =	sdelay $0x3  }
0x34: {  	[smem:$0x3FBA] =	sst s10  }
0x35: {  	s10 =	sld [smem:$0x3FB9];
	_ =	sdelay $0x3  }
0x36: {  	p1 =	seq.s32 s10, $0x1;
	s10 =	sld [smem:$0x3FBA];
	_ =	sdelay $0x3  }
0x37: {  	[smem:$0x3FBA] =	sst s10  }
0x38: {  	s10 =	sld [smem:$0x3FBB]  }
0x39: {  	_ = 	snop;
	(pc) =	sbr.ind lr, $3  }
0x3a: {  	_ = 	snop  }
0x3b: {  	_ = 	snop  }
0x3c: {  	p2 =	seq.s32 s10, $0x1;
	s10 =	sld [smem:$0x3FBA]  }
0x3d: {  	_ =	shalt  }
0x3e: {  	_ =	shalt  }
0x3f: {  	_ =	shalt  }
0x40: {  	_ =	shalt  }
0x41: {  	_ =	shalt  }
0x42: {  	_ =	shalt  }
0x43: {  	_ =	shalt  }
0x44: {  	_ =	shalt  }
0x45: {  	_ =	shalt  }
0x46: {  	_ =	shalt  }
0x47: {  	_ =	shalt  }
0x48: {  	_ =	shalt  }
0x49: {  	_ =	shalt  }
0x4a: {  	_ =	shalt  }
0x4b: {  	_ =	shalt  }
0x4c: {  	_ =	shalt  }
0x4d: {  	_ =	shalt  }
0x4e: {  	_ =	shalt  }
0x4f: {  	_ =	shalt  }
0x50: {  	_ =	shalt  }
0x51: {  	_ =	shalt  }
0x52: {  	_ =	shalt  }
0x53: {  	_ =	shalt  }
0x54: {  	_ =	shalt  }
0x55: {  	_ =	shalt  }
0x56: {  	_ =	shalt  }
0x57: {  	_ =	shalt  }
0x58: {  	_ =	shalt  }
0x59: {  	_ =	shalt  }
0x5a: {  	_ =	shalt  }
0x5b: {  	_ =	shalt  }
0x5c: {  	_ =	shalt  }
0x5d: {  	_ =	shalt  }
0x5e: {  	_ =	shalt  }
0x5f: {  	_ =	shalt  }
0x60: {  	_ =	shalt  }
0x61: {  	_ =	shalt  }
0x62: {  	_ =	shalt  }
0x63: {  	_ =	shalt  }
0x64: {  	_ =	shalt  }
0x65: {  	_ =	shalt  }
0x66: {  	_ =	shalt  }
0x67: {  	_ =	shalt  }
0x68: {  	_ =	shalt  }
0x69: {  	_ =	shalt  }
0x6a: {  	_ =	shalt  }
0x6b: {  	_ =	shalt  }
0x6c: {  	_ =	shalt  }
0x6d: {  	_ =	shalt  }
0x6e: {  	_ =	shalt  }
0x6f: {  	_ =	shalt  }
0x70: {  	_ =	shalt  }
0x71: {  	_ =	shalt  }
0x72: {  	_ =	shalt  }
0x73: {  	_ =	shalt  }
0x74: {  	_ =	shalt  }
0x75: {  	_ =	shalt  }
0x76: {  	_ =	shalt  }
0x77: {  	_ =	shalt  }
0x78: {  	_ =	shalt  }
0x79: {  	_ =	shalt  }
0x7a: {  	_ =	shalt  }
0x7b: {  	_ =	shalt  }
0x7c: {  	_ =	shalt  }
0x7d: {  	_ =	shalt  }
0x7e: {  	_ =	shalt  }
0x7f: {  	_ =	shalt  }
0x80: {  	_ =	shalt  }
0x81: {  	_ =	shalt  }
0x82: {  	_ =	shalt  }
0x83: {  	_ =	shalt  }
0x84: {  	_ =	shalt  }
0x85: {  	_ =	shalt  }
0x86: {  	_ =	shalt  }
0x87: {  	_ =	shalt  }
.Lfunc_end0:
.L_simem_size_0:
called_computation_lowered:
.L_overlay_start_0:
0x88: {  	s2 =	sld [smem:$0x3FD9]  }
0x89: {  	s3 =	sld [smem:$0x3FFE];
	_ =	sdelay $0x1  }
0x8a: {  	s1 =	srdreg.scid  }
0x8b: {  	s0 =	sand.u32 $0x1, s1  }
0x8c: {  	s17 =	sshll.u32 s0, $0xA;
	s2 =	sadd.s32 s3, s2  }
0x8d: {  	s2 =	sadd.s32 s2, s17  }
0x8e: {  	[smem:$0x3FC6] =	sst s2  }
0x8f: {  	_ = 	snop  }
0x90: {  	s2 =	sld [smem:$0x3FD0];
	(tm) =	ssettm $0x1  }
0x91: {  	s18 =	sld [smem:$0x3FFB];
	_ =	sdelay $0x3  }
0x92: {  	_ =	strace s18  }
0x93: {  	s3 =	sld [smem:$0x3FFC];
	_ =	sdelay $0x3  }
0x94: {  	_ =	strace s3  }
0x95: {  	s3 =	sld [smem:$0x3FFD];
	_ =	sdelay $0x3  }
0x96: {  	_ =	strace s3  }
0x97: {  	_ =	strace $0x8FFFFFFF  }
0x98: {  	s19 =	sld [smem:$0x3FDB];
	_ =	sdelay $0x1  }
0x99: {  	s4 =	simm.s32 $_scs_section_size  }
0x9a: {  	s5 =	simm.s32 $_size__tile_overlayer_lowered;
	s6 =	simm.s32 $_tile_overlayer_lowered  }
0x9b: {  	s22 =	simm.s32 $0x1BFF;
	s21 =	sshll.u32 s6, $0x1;
	s3 =	sadd.s32 s4, s19  }
0x9c: {  	s7 =	simm.s32 $0x0;
	s20 =	sshll.u32 s5, $0x1;
	s5 =	sadd.s32 s21, s3  }
0x9d: {  	[timem:s7], [sflag:s22] =	dma.local [hbm:s5], s20  }
0x9e: {  	_ =	swait.ge [sflag:s22], s20  }
0x9f: {  	s4 =	ssub.s32 $0x0, s20;
	[sflag:s22] =	ssyncset.done $0x0  }
0xa0: {  	[sflag:s22] =	ssyncadd.s32 s4;
	_ =	sdelay $0x1  }
0xa1: {  	s23 =	simm.s32 $0x1B8B  }
0xa2: {  	_ =	swait.ge [sflag:s23], $0x1  }
0xa3: {  	[sflag:s23] =	ssyncset.done $0x0  }
0xa4: {  	s25 =	simm.s32 $0x1B8E;
	s24 =	sld [smem:$0x3FFE];
	[sflag:s23] =	ssyncadd.s32 $0xFFFFFFFF  }
0xa5: {  	s26 =	simm.s32 $execute0_lowered;
	[smem:$0x3FD2] =	sst s25  }
0xa6: {  	s5 =	sshll.u32 s26, $0x1;
	_ =	strace $0x80000046;
	[dreg:$0x1] =	wrdreg $0xFFFFFFFF  }
0xa7: {  	s28 =	simm.s32 $_size_execute0_lowered;
	s3 =	sadd.s32 s3, s5;
	[dreg:$0x0] =	wrdreg $0x0  }
0xa8: {  	s5 =	sshll.u32 s28, $0x1;
	[dreg:$0x2] =	wrdreg s3  }
0xa9: {  	[dreg:$0x3] =	wrdreg s5  }
0xaa: {  	[dreg:$0x4] =	wrdreg $0xC0  }
0xab: {  	_ =	task [dreg:s7], $0x5FFFF  }
0xac: {  	[dreg:$0x1] =	wrdreg $0xFFFFFFFF  }
0xad: {  	[dreg:$0x0] =	wrdreg $0x60  }
0xae: {  	[dreg:$0x2] =	wrdreg s24  }
0xaf: {  	[dreg:$0x3] =	wrdreg s2  }
0xb0: {  	[dreg:$0x4] =	wrdreg $0x9  }
0xb1: {  	_ =	task.clear_ibuf [dreg:s7], $0x5FFFF;
	_ =	strace $0x90000046  }
0xb2: {  	s29 =	simm.s32 $0x9;
	_ =	strace $0x80000048  }
0xb3: {  	_ =	swait.ge [sflag:s29], $0x1  }
0xb4: {  	[sflag:s29] =	ssyncadd.s32 $0xFFFFFFFF  }
0xb5: {  	_ =	strace $0x90000048  }
0xb6: {  	_ =	sfence  }
0xb7: {  	s30 =	sld [smem:$0x0];
	_ =	sdelay $0x2  }
0xb8: {  	s31 =	sshll.u32 s1, $0xD;
	s1 =	sshrl.u32 s1, $0x2  }
0xb9: {  	s3 =	sand.u32 $0x4000, s31;
	s1 =	sadd.s32 s1, s30  }
0xba: {  	s0 =	sor.u32 s3, s0;
	s1 =	sshll.u32 s1, $0x11  }
0xbb: {  	s0 =	sor.u32 s1, s0  }
0xbc: {  	s0 =	sadd.s32 $0x8F2B, s0  }
0xbd: {  	[sflag:s0] =	ssyncadd.remote.s32 $0x1  }
0xbe: {  	_ =	sfence.sel $0xFFFF  }
0xbf: {  	[dreg:$0x0] =	wrdreg $0xFFFFFFFF;
	(pc) =	sbr.abs _section_cstart, $3  }
0xc0: {  	[dreg:$0x1] =	wrdreg $0xFFFFFFFF  }
0xc1: {  	_ =	task.clear_ibuf [dreg:s7], $0x2FFFF;
	_ =	strace $0x9FFFFFFF  }
0xc2: {  	(tm) =	ssettm $0x7FFFFFFF  }
0xc3: {  	_ =	shalt  }
tec
execute0_lowered:
.L_overlay_start_1:
0x0: {  	(tag) =	ssettag $0x1  }
0x1: {  	v0 =	vlaneseq.u32  }
0x2: {  	v0 =	vmul.u32 $0x88, v0  }
0x3: {  	s4 =	rddreg [dreg:$0x0];
	v1 =	vimm.s32 $0x0;
	vm0 =	vcmask $0x300  }
0x4: {  	s1 =	srdreg.scid;
	s0 =	stileid.u32;
	v1 =	vsel vm0, $0x3, v1;
	v2 =	vadd.s32 $0x880, v0  }
0x5: {  	s2 =	rddreg [dreg:$0x1];
	s3 =	simm.s32 $0x0;
	s9 =	simm.s32 $0x4000;
	v3 =	vadd.s32 $0x1100, v0;
	v4 =	vadd.s32 $0x1980, v0;
	v5 =	vor.u32 $0x1, v0  }
0x6: {  	s10 =	simm.s32 $0x5;
	s11 =	simm.s32 $0x80;
	s12 =	simm.s32 $0x6400;
	v6 =	vadd.s32 $0x881, v0;
	v7 =	vadd.s32 $0x1101, v0;
	v8 =	vadd.s32 $0x1981, v0  }
0x7: {  	s13 =	simm.s32 $0x8400;
	s14 =	simm.s32 $0x1;
	s15 =	simm.s32 $0xA400;
	v9 =	vor.u32 $0x2, v0;
	v10 =	vadd.s32 $0x882, v0;
	v11 =	vadd.s32 $0x1102, v0  }
0x8: {  	s16 =	simm.s32 $0x2;
	s17 =	simm.s32 $0x4;
	s18 =	simm.s32 $0xC600;
	v12 =	vadd.s32 $0x1982, v0;
	v13 =	vor.u32 $0x3, v0;
	v14 =	vadd.s32 $0x883, v0  }
0x9: {  	s19 =	simm.s32 $0x3;
	s5 =	sand.u32 $0x1, s1;
	s6 =	sshll.u32 s0, $0x1;
	v15 =	vadd.s32 $0x1103, v0;
	v16 =	vadd.s32 $0x1983, v0;
	v17 =	vor.u32 $0x4, v0  }
0xa: {  	s20 =	simm.s32 $0x0;
	s1 =	rddreg [dreg:$0x2];
	s6 =	sor.u32 s5, s6;
	v18 =	vadd.s32 $0x884, v0;
	v19 =	vadd.s32 $0x1104, v0;
	v20 =	vadd.s32 $0x1984, v0  }
0xb: {  	[smem:$0x7FF] =	sst s3;
	s5 =	ssub.s32 $0x2, s5;
	s7 =	sshll.u32 s6, $0x6;
	v21 =	vor.u32 $0x5, v0;
	v22 =	vadd.s32 $0x885, v0;
	v23 =	vadd.s32 $0x1105, v0  }
0xc: {  	_ =	strace $0x80000047;
	s8 =	sshrl.u32 s5, $0x1;
	v24 =	vadd.s32 $0x1985, v0;
	v25 =	vor.u32 $0x6, v0;
	v26 =	vadd.s32 $0x886, v0;
	s7 =	sadd.s32 s7, s4  }
0xd: {  	v27 =	vadd.s32 $0x1106, v0;
	v28 =	vadd.s32 $0x1986, v0;
	v29 =	vor.u32 $0x7, v0;
	s4 =	sadd.s32 $0xF42A00, s4;
	s8 =	ssub.s32 s5, s8;
	s5 =	sshll.u32 s6, $0x2  }
0xe: {  	v30 =	vadd.s32 $0x887, v0;
	v31 =	vadd.s32 $0x1107, v0;
	v32 =	vadd.s32 $0x1987, v0;
	s6 =	sadd.s32 $0x600, s7;
	s7 =	smax.u32 s8, $0x1;
	s8 =	simm.s32 $0x200  }
.LBB2_1:
0xf: {  	[tilespmem:s3], [sflag:$0x5] =	stream.strided.gather [hbm4b:s6+s8], $0x6400, s9, s8, $0x38;
	[tilespmem:$0xE800] =	vst v63  }
0x10: {  	_ =	swait.ge [sflag:s10], $0x6400  }
0x11: {  	[sflag:s10] =	ssyncset.done $0x0  }
0x12: {  	s21 =	simm.s32 $0x0;
	[sflag:s10] =	ssyncadd.s32 $0xFFFF9C00  }
0x13: {  	[tilespmem:s12], [sflag:$0x1] =	stream.indirect.gather [hbm4b:s4+s11], $0x40, s3, s11, $0xb8;
	[tilespmem:$0xE800] =	vst v63  }
.LBB2_2:
0x14: {  	s22 =	sshllo.u32 s21, $0x1;
	s24 =	sshll.u32 s21, $0x8;
	s31 =	simm.s32 $0x0  }
0x15: {  	s25 =	simm.s32 $0x2;
	s26 =	simm.s32 $0x3;
	s23 =	sshll.u32 s22, $0x7  }
0x16: {  	s28 =	simm.s32 $0x4;
	s24 =	sand.u32 $0x7E00, s24;
	s23 =	sand.u32 $0x180, s23  }
0x17: {  	s29 =	simm.s32 $0x5;
	s30 =	simm.s32 $0x6;
	v33 =	vmov s31;
	s23 =	sor.u32 s23, s24  }
0x18: {  	v35 =	vmov s25;
	v36 =	vmov s26;
	[tilespmem:s13], [sflag:$0x2] =	stream.indirect.gather [hbm4b:s4+s11], $0x40, s23, s11, $0xb8;
	[tilespmem:$0xE800] =	vst v63  }
0x19: {  	s25 =	simm.s32 $0x7;
	v37 =	vmov s28;
	v39 =	vmov s29;
	v40 =	vmov s30;
	_ =	swait.ge [sflag:s14], $0x2000  }
0x1a: {  	p0 =	seq.s32 s21, $0x0;
	v33 =	vshrl.u32 v33, $0x3;
	v38 =	vmov s25;
	v35 =	vshrl.u32 v35, $0x3;
	s24 =	simm.s32 $0x1;
	[sflag:s14] =	ssyncset.done $0x0  }
0x1b: {  	v36 =	vshrl.u32 v36, $0x3;
	v38 =	vshrl.u32 v38, $0x3;
	v34 =	vmov s24;
	s24 =	simm.s32 @!p0 $0x3;
	[sflag:s14] =	ssyncadd.s32 $0xFFFFE000  }
0x1c: {  	v37 =	vshrl.u32 v37, $0x3;
	v55 =	vshrl.u32 v39, $0x3;
	v38 =	vshll.u32 v38, v1;
	_ =	swait.ge @!p0 [sflag:s24], $0x2000  }
0x1d: {  	v33 =	vshll.u32 v33, v1;
	v34 =	vshrl.u32 v34, $0x3;
	v38 =	vbroadcast v38, $0x0;
	[sflag:s24] =	ssyncset.done @!p0 $0x0  }
0x1e: {  	v40 =	vshrl.u32 v40, $0x3;
	s23 =	simm.s32 $0x6500;
	v33 =	vbroadcast v33, $0x0;
	v34 =	vshll.u32 v34, v1;
	[sflag:s24] =	ssyncadd.s32 @!p0 $0xFFFFE000  }
0x1f: {  	v51 =	vshll.u32 v35, v1;
	v47 =	vbroadcast v34, $0x0;
	v42 =	vadd.s32 v29, v38;
	v41 =	vld [tilespmem:s23+$0xC0]  }
0x20: {  	v52 =	vshll.u32 v36, v1;
	v53 =	vbroadcast v51, $0x0;
	v44 =	vadd.s32 v0, v33;
	v43 =	vld [tilespmem:s23+$0xFFFFFF00]  }
0x21: {  	v54 =	vshll.u32 v37, v1;
	v35 =	vbroadcast v52, $0x0;
	v46 =	vadd.s32 v5, v47;
	v45 =	vld [tilespmem:s23+$0xFFFFFF40]  }
0x22: {  	v36 =	vshll.u32 v55, v1;
	v49 =	vadd.s32 v9, v53;
	v34 =	vbroadcast v54, $0x0;
	v48 =	vld [tilespmem:s23+$0xFFFFFF80]  }
0x23: {  	v56 =	vshll.u32 v40, v1;
	v37 =	vbroadcast v36, $0x0;
	v50 =	vadd.s32 v13, v35;
	v39 =	vld [tilespmem:s23+$0xFFFFFFC0]  }
0x24: {  	v36 =	vbroadcast v56, $0x0;
	v52 =	vadd.s32 v17, v34;
	v51 =	vld [tilespmem:s23+$0x0];
	[tilespmem:v42+s15+$0x0] =	vst.idx.msk $0xffff, v41  }
0x25: {  	v60 =	vadd.s32 v21, v37;
	v59 =	vld [tilespmem:s23+$0x40];
	[tilespmem:v44+s15+$0x0] =	vst.idx.msk $0xffff, v43  }
0x26: {  	v62 =	vadd.s32 v25, v36;
	v61 =	vld [tilespmem:s23+$0x80];
	[tilespmem:v46+s15+$0x0] =	vst.idx.msk $0xffff, v45  }
0x27: {  	v58 =	vadd.s32 v30, v38;
	[tilespmem:v49+s15+$0x0] =	vst.idx.msk $0xffff, v48;
	v57 =	vld [tilespmem:s23+$0xD0]  }
0x28: {  	v63 =	vadd.s32 v6, v47;
	[tilespmem:v50+s15+$0x0] =	vst.idx.msk $0xffff, v39;
	v46 =	vld [tilespmem:s23+$0xFFFFFF50]  }
0x29: {  	v55 =	vadd.s32 v10, v53;
	[tilespmem:v52+s15+$0x0] =	vst.idx.msk $0xffff, v51;
	v54 =	vld [tilespmem:s23+$0xFFFFFF90]  }
0x2a: {  	v56 =	vadd.s32 v14, v35;
	[tilespmem:v60+s15+$0x0] =	vst.idx.msk $0xffff, v59;
	v50 =	vld [tilespmem:s23+$0xFFFFFFD0]  }
0x2b: {  	[tilespmem:v62+s15+$0x0] =	vst.idx.msk $0xffff, v61;
	v45 =	vadd.s32 v22, v37;
	v44 =	vld [tilespmem:s23+$0x50]  }
0x2c: {  	v59 =	vadd.s32 v18, v34;
	[tilespmem:v58+s15+$0x0] =	vst.idx.msk $0xffff, v57;
	v58 =	vld [tilespmem:s23+$0x10]  }
0x2d: {  	v57 =	vadd.s32 v31, v38;
	[tilespmem:v63+s15+$0x0] =	vst.idx.msk $0xffff, v46;
	v40 =	vld [tilespmem:s23+$0xE0]  }
0x2e: {  	v60 =	vadd.s32 v26, v36;
	[tilespmem:v55+s15+$0x0] =	vst.idx.msk $0xffff, v54;
	v63 =	vld [tilespmem:s23+$0x90]  }
0x2f: {  	v62 =	vadd.s32 v2, v33;
	v61 =	vld [tilespmem:s23+$0xFFFFFF10];
	[tilespmem:v56+s15+$0x0] =	vst.idx.msk $0xffff, v50  }
0x30: {  	v51 =	vadd.s32 v7, v47;
	[tilespmem:v45+s15+$0x0] =	vst.idx.msk $0xffff, v44;
	v50 =	vld [tilespmem:s23+$0xFFFFFF60]  }
0x31: {  	v56 =	vadd.s32 v11, v53;
	v55 =	vld [tilespmem:s23+$0xFFFFFFA0];
	[tilespmem:v59+s15+$0x0] =	vst.idx.msk $0xffff, v58  }
0x32: {  	v58 =	vadd.s32 v15, v35;
	[tilespmem:v57+s15+$0x0] =	vst.idx.msk $0xffff, v40;
	v57 =	vld [tilespmem:s23+$0xFFFFFFE0]  }
0x33: {  	[tilespmem:v60+s15+$0x0] =	vst.idx.msk $0xffff, v63;
	v60 =	vadd.s32 v19, v34;
	v59 =	vld [tilespmem:s23+$0x20]  }
0x34: {  	s25 =	simm.s32 $0x9;
	v38 =	vadd.s32 v32, v38;
	[tilespmem:v62+s15+$0x0] =	vst.idx.msk $0xffff, v61;
	v54 =	vld [tilespmem:s23+$0xF0]  }
0x35: {  	s31 =	simm.s32 $0x8;
	v41 =	vadd.s32 v23, v37;
	v52 =	vmov s25;
	[tilespmem:v51+s15+$0x0] =	vst.idx.msk $0xffff, v50;
	v40 =	vld [tilespmem:s23+$0x60]  }
0x36: {  	s28 =	simm.s32 $0xB;
	s29 =	simm.s32 $0xC;
	v43 =	vadd.s32 v27, v36;
	v48 =	vadd.s32 v3, v33;
	v63 =	vmov s31;
	v42 =	vld [tilespmem:s23+$0xA0];
	[tilespmem:v56+s15+$0x0] =	vst.idx.msk $0xffff, v55  }
0x37: {  	v44 =	vmov s28;
	v46 =	vmov s29;
	v45 =	vld [tilespmem:s23+$0xFFFFFF20];
	s31 =	simm.s32 $0xE;
	v39 =	vshrl.u32 v63, $0x3;
	[tilespmem:v58+s15+$0x0] =	vst.idx.msk $0xffff, v57  }
0x38: {  	s26 =	simm.s32 $0xA;
	s30 =	simm.s32 $0xD;
	v51 =	vadd.s32 v8, v47;
	v49 =	vld [tilespmem:s23+$0xFFFFFF70];
	v47 =	vshll.u32 v39, v1;
	v39 =	vmov s31;
	[tilespmem:v60+s15+$0x0] =	vst.idx.msk $0xffff, v59  }
0x39: {  	s24 =	sshll.u32 s21, $0x1;
	s25 =	simm.s32 $0x10;
	v53 =	vadd.s32 v12, v53;
	v50 =	vld [tilespmem:s23+$0xFFFFFFB0];
	[tilespmem:v38+s15+$0x0] =	vst.idx.msk $0xffff, v54;
	v54 =	vmov s26;
	v38 =	vmov s30;
	s26 =	simm.s32 $0xF  }
.LBB2_3:
0x3a: {  	p1 =	slt.u32 s25, $0x78;
	v52 =	vshrl.u32 v52, $0x3;
	v55 =	vmov s26;
	v56 =	vld [tilespmem:s23+$0xFFFFFFF0];
	v35 =	vadd.s32 v16, v35;
	[tilespmem:v41+s15+$0x0] =	vst.idx.msk $0xffff, v40  }
0x3b: {  	v40 =	vshrl.u32 v54, $0x3;
	v34 =	vadd.s32 v20, v34;
	v41 =	vshrl.u32 v55, $0x3;
	v54 =	vld [tilespmem:s23+$0x30];
	[tilespmem:v43+s15+$0x0] =	vst.idx.msk $0xffff, v42  }
0x3c: {  	v37 =	vadd.s32 v24, v37;
	v42 =	vshrl.u32 v44, $0x3;
	v41 =	vshll.u32 v41, v1;
	[tilespmem:v48+s15+$0x0] =	vst.idx.msk $0xffff, v45;
	v43 =	vld [tilespmem:s23+$0x70]  }
0x3d: {  	v36 =	vadd.s32 v28, v36;
	v44 =	vshrl.u32 v46, $0x3;
	v41 =	vbroadcast v41, $0x0;
	[tilespmem:v51+s15+$0x0] =	vst.idx.msk $0xffff, v49;
	v45 =	vld [tilespmem:s23+$0xB0]  }
0x3e: {  	v46 =	vshll.u32 v52, v1;
	v49 =	vadd.s32 v4, v33;
	v33 =	vbroadcast v47, $0x0;
	v48 =	vld [tilespmem:s23+$0xFFFFFF30];
	[tilespmem:v53+s15+$0x0] =	vst.idx.msk $0xffff, v50;
	s23 =	sadd.s32 $0x200, s23  }
0x3f: {  	v40 =	vshll.u32 v40, v1;
	v47 =	vbroadcast v46, $0x0;
	v46 =	vld [tilespmem:s23+$0xC0];
	v50 =	vadd.s32 v29, v41;
	[tilespmem:v35+s15+$0x0] =	vst.idx.msk $0xffff, v56  }
0x40: {  	v53 =	vbroadcast v40, $0x0;
	v52 =	vadd.s32 v0, v33;
	v35 =	vshll.u32 v42, v1;
	v51 =	vld [tilespmem:s23+$0xFFFFFF00];
	[tilespmem:v34+s15+$0x0] =	vst.idx.msk $0xffff, v54  }
0x41: {  	v42 =	vadd.s32 v5, v47;
	v35 =	vbroadcast v35, $0x0;
	v34 =	vshll.u32 v44, v1;
	v40 =	vld [tilespmem:s23+$0xFFFFFF40];
	[tilespmem:v37+s15+$0x0] =	vst.idx.msk $0xffff, v43  }
0x42: {  	v44 =	vadd.s32 v9, v53;
	v34 =	vbroadcast v34, $0x0;
	v37 =	vshrl.u32 v38, $0x3;
	v43 =	vld [tilespmem:s23+$0xFFFFFF80];
	[tilespmem:v36+s15+$0x0] =	vst.idx.msk $0xffff, v45  }
0x43: {  	v39 =	vshrl.u32 v39, $0x3;
	v45 =	vadd.s32 v13, v35;
	v36 =	vshll.u32 v37, v1;
	v38 =	vld [tilespmem:s23+$0xFFFFFFC0];
	[tilespmem:v49+s15+$0x0] =	vst.idx.msk $0xffff, v48  }
0x44: {  	v49 =	vadd.s32 v17, v34;
	v37 =	vbroadcast v36, $0x0;
	v36 =	vshll.u32 v39, v1;
	v48 =	vld [tilespmem:s23+$0x0];
	[tilespmem:v50+s15+$0x0] =	vst.idx.msk $0xffff, v46  }
0x45: {  	v36 =	vbroadcast v36, $0x0;
	v46 =	vadd.s32 v30, v41;
	[tilespmem:v52+s15+$0x0] =	vst.idx.msk $0xffff, v51;
	v39 =	vld [tilespmem:s23+$0xD0]  }
0x46: {  	[tilespmem:v42+s15+$0x0] =	vst.idx.msk $0xffff, v40;
	v40 =	vld [tilespmem:s23+$0x40];
	v42 =	vadd.s32 v21, v37  }
0x47: {  	[tilespmem:v44+s15+$0x0] =	vst.idx.msk $0xffff, v43;
	v43 =	vld [tilespmem:s23+$0x80];
	v44 =	vadd.s32 v25, v36  }
0x48: {  	v51 =	vadd.s32 v6, v47;
	v50 =	vld [tilespmem:s23+$0xFFFFFF50];
	[tilespmem:v45+s15+$0x0] =	vst.idx.msk $0xffff, v38  }
0x49: {  	v45 =	vadd.s32 v10, v53;
	v38 =	vld [tilespmem:s23+$0xFFFFFF90];
	[tilespmem:v49+s15+$0x0] =	vst.idx.msk $0xffff, v48  }
0x4a: {  	v49 =	vadd.s32 v14, v35;
	v48 =	vld [tilespmem:s23+$0xFFFFFFD0];
	[tilespmem:v46+s15+$0x0] =	vst.idx.msk $0xffff, v39  }
0x4b: {  	[tilespmem:v42+s15+$0x0] =	vst.idx.msk $0xffff, v40;
	v39 =	vld [tilespmem:s23+$0xE0];
	v40 =	vadd.s32 v31, v41  }
0x4c: {  	v46 =	vadd.s32 v18, v34;
	v42 =	vld [tilespmem:s23+$0x10];
	[tilespmem:v44+s15+$0x0] =	vst.idx.msk $0xffff, v43  }
0x4d: {  	v44 =	vadd.s32 v22, v37;
	[tilespmem:v51+s15+$0x0] =	vst.idx.msk $0xffff, v50;
	v43 =	vld [tilespmem:s23+$0x50]  }
0x4e: {  	[tilespmem:v45+s15+$0x0] =	vst.idx.msk $0xffff, v38;
	v38 =	vld [tilespmem:s23+$0x90];
	v45 =	vadd.s32 v26, v36  }
0x4f: {  	v51 =	vadd.s32 v2, v33;
	v50 =	vld [tilespmem:s23+$0xFFFFFF10];
	[tilespmem:v49+s15+$0x0] =	vst.idx.msk $0xffff, v48  }
0x50: {  	v49 =	vadd.s32 v7, v47;
	v48 =	vld [tilespmem:s23+$0xFFFFFF60];
	[tilespmem:v40+s15+$0x0] =	vst.idx.msk $0xffff, v39  }
0x51: {  	[tilespmem:v46+s15+$0x0] =	vst.idx.msk $0xffff, v42;
	v39 =	vld [tilespmem:s23+$0xF0];
	v46 =	vadd.s32 v32, v41  }
0x52: {  	v56 =	vadd.s32 v11, v53;
	v55 =	vld [tilespmem:s23+$0xFFFFFFA0];
	[tilespmem:v44+s15+$0x0] =	vst.idx.msk $0xffff, v43  }
0x53: {  	v58 =	vadd.s32 v15, v35;
	v57 =	vld [tilespmem:s23+$0xFFFFFFE0];
	[tilespmem:v45+s15+$0x0] =	vst.idx.msk $0xffff, v38  }
0x54: {  	v60 =	vadd.s32 v19, v34;
	[tilespmem:v51+s15+$0x0] =	vst.idx.msk $0xffff, v50;
	v59 =	vld [tilespmem:s23+$0x20]  }
.Ltmp0:
0x55: {  	s26 =	sadd.s32 $0x1, s25;
	v41 =	vadd.s32 v23, v37;
	v38 =	vmov s25;
	[tilespmem:v49+s15+$0x0] =	vst.idx.msk $0xffff, v48;
	v40 =	vld [tilespmem:s23+$0x60];
	(pc) =	sbr.rel @p1 .LBB2_3-.Ltmp0, $4  }
0x56: {  	s28 =	sadd.s32 $0x3, s25;
	v52 =	vmov s26;
	s26 =	sadd.s32 $0x2, s25;
	v43 =	vadd.s32 v27, v36;
	v50 =	vshrl.u32 v38, $0x3;
	v42 =	vld [tilespmem:s23+$0xA0];
	[tilespmem:v46+s15+$0x0] =	vst.idx.msk $0xffff, v39  }
0x57: {  	v54 =	vmov s26;
	s26 =	sadd.s32 $0x4, s25;
	v44 =	vmov s28;
	s28 =	sadd.s32 $0x5, s25;
	v48 =	vadd.s32 v3, v33;
	v45 =	vld [tilespmem:s23+$0xFFFFFF20];
	[tilespmem:v56+s15+$0x0] =	vst.idx.msk $0xffff, v55  }
0x58: {  	v38 =	vmov s28;
	v51 =	vadd.s32 v8, v47;
	v46 =	vmov s26;
	s26 =	sadd.s32 $0x6, s25;
	v49 =	vld [tilespmem:s23+$0xFFFFFF70];
	[tilespmem:v58+s15+$0x0] =	vst.idx.msk $0xffff, v57  }
0x59: {  	v53 =	vadd.s32 v12, v53;
	v47 =	vshll.u32 v50, v1;
	v39 =	vmov s26;
	s26 =	sadd.s32 $0x7, s25;
	s25 =	sadd.s32 $0x8, s25;
	v50 =	vld [tilespmem:s23+$0xFFFFFFB0];
	[tilespmem:v60+s15+$0x0] =	vst.idx.msk $0xffff, v59  }
0x5a: {  	_ =	sdelay $0x2  }
0x5b: {  	v52 =	vshrl.u32 v52, $0x3  }
0x5c: {  	v55 =	vmov s26;
	v56 =	vld [tilespmem:s23+$0xFFFFFFF0];
	v35 =	vadd.s32 v16, v35;
	[tilespmem:v41+s15+$0x0] =	vst.idx.msk $0xffff, v40;
	v57 =	vshrl.u32 v54, $0x3  }
0x5d: {  	v59 =	vld [tilespmem:s23+$0x30];
	v34 =	vadd.s32 v20, v34;
	v60 =	vshrl.u32 v44, $0x3;
	v58 =	vshrl.u32 v55, $0x3;
	[tilespmem:v43+s15+$0x0] =	vst.idx.msk $0xffff, v42  }
0x5e: {  	v37 =	vadd.s32 v24, v37;
	v62 =	vshrl.u32 v46, $0x3;
	v61 =	vld [tilespmem:s23+$0x70];
	v41 =	vshll.u32 v58, v1;
	[tilespmem:v48+s15+$0x0] =	vst.idx.msk $0xffff, v45  }
0x5f: {  	v36 =	vadd.s32 v28, v36;
	v46 =	vbroadcast v47, $0x0;
	v63 =	vld [tilespmem:s23+$0xB0];
	v41 =	vbroadcast v41, $0x0;
	[tilespmem:v51+s15+$0x0] =	vst.idx.msk $0xffff, v49  }
0x60: {  	v33 =	vadd.s32 v4, v33;
	s25 =	sadd.s32 $0x200, s23;
	v38 =	vshrl.u32 v38, $0x3;
	v55 =	vshll.u32 v52, v1;
	v48 =	vld [tilespmem:s23+$0xFFFFFF30];
	[tilespmem:v53+s15+$0x0] =	vst.idx.msk $0xffff, v50  }
0x61: {  	v40 =	vshll.u32 v57, v1;
	v47 =	vbroadcast v55, $0x0;
	v49 =	vld [tilespmem:s25+$0xC0];
	v50 =	vadd.s32 v29, v41;
	[tilespmem:v35+s15+$0x0] =	vst.idx.msk $0xffff, v56  }
0x62: {  	v42 =	vshll.u32 v60, v1;
	v40 =	vbroadcast v40, $0x0;
	v35 =	vld [tilespmem:s25+$0xFFFFFF00];
	v56 =	vadd.s32 v0, v46;
	[tilespmem:v34+s15+$0x0] =	vst.idx.msk $0xffff, v59  }
0x63: {  	v57 =	vld [tilespmem:s25+$0xFFFFFF40];
	v44 =	vshll.u32 v62, v1;
	v42 =	vbroadcast v42, $0x0;
	v58 =	vadd.s32 v5, v47;
	[tilespmem:v37+s15+$0x0] =	vst.idx.msk $0xffff, v61  }
0x64: {  	v38 =	vshll.u32 v38, v1;
	v44 =	vbroadcast v44, $0x0;
	v60 =	vadd.s32 v9, v40;
	v59 =	vld [tilespmem:s25+$0xFFFFFF80];
	[tilespmem:v36+s15+$0x0] =	vst.idx.msk $0xffff, v63  }
0x65: {  	v38 =	vbroadcast v38, $0x0;
	v62 =	vadd.s32 v13, v42;
	v61 =	vld [tilespmem:s25+$0xFFFFFFC0];
	[tilespmem:v33+s15+$0x0] =	vst.idx.msk $0xffff, v48  }
0x66: {  	v39 =	vshrl.u32 v39, $0x3;
	v63 =	vadd.s32 v17, v44;
	v33 =	vld [tilespmem:s25+$0x0];
	[tilespmem:v50+s15+$0x0] =	vst.idx.msk $0xffff, v49  }
0x67: {  	v39 =	vshll.u32 v39, v1;
	v34 =	vld [tilespmem:s25+$0x40];
	[tilespmem:v56+s15+$0x0] =	vst.idx.msk $0xffff, v35;
	v56 =	vadd.s32 v21, v38  }
0x68: {  	[tilespmem:v58+s15+$0x0] =	vst.idx.msk $0xffff, v57;
	v35 =	vbroadcast v39, $0x0;
	v49 =	vadd.s32 v30, v41;
	v39 =	vld [tilespmem:s25+$0xD0]  }
0x69: {  	[tilespmem:v60+s15+$0x0] =	vst.idx.msk $0xffff, v59;
	v59 =	vld [tilespmem:s25+$0xFFFFFF50];
	v60 =	vadd.s32 v6, v47  }
0x6a: {  	v57 =	vld [tilespmem:s25+$0x80];
	[tilespmem:v62+s15+$0x0] =	vst.idx.msk $0xffff, v61;
	v58 =	vadd.s32 v25, v35  }
0x6b: {  	v61 =	vld [tilespmem:s25+$0xFFFFFF90];
	v62 =	vadd.s32 v10, v40;
	[tilespmem:v63+s15+$0x0] =	vst.idx.msk $0xffff, v33  }
0x6c: {  	v33 =	vld [tilespmem:s25+$0xFFFFFFD0];
	v63 =	vadd.s32 v14, v42;
	[tilespmem:v56+s15+$0x0] =	vst.idx.msk $0xffff, v34  }
0x6d: {  	v56 =	vadd.s32 v18, v44;
	[tilespmem:v49+s15+$0x0] =	vst.idx.msk $0xffff, v39;
	v49 =	vld [tilespmem:s25+$0x10]  }
0x6e: {  	[tilespmem:v60+s15+$0x0] =	vst.idx.msk $0xffff, v59;
	v39 =	vadd.s32 v31, v41;
	v34 =	vld [tilespmem:s25+$0xE0]  }
0x6f: {  	[tilespmem:v58+s15+$0x0] =	vst.idx.msk $0xffff, v57;
	v57 =	vld [tilespmem:s25+$0x50];
	v58 =	vadd.s32 v22, v38  }
0x70: {  	[tilespmem:v62+s15+$0x0] =	vst.idx.msk $0xffff, v61;
	v61 =	vld [tilespmem:s25+$0xFFFFFF10];
	v62 =	vadd.s32 v2, v46  }
0x71: {  	v60 =	vadd.s32 v26, v35;
	v59 =	vld [tilespmem:s25+$0x90];
	[tilespmem:v63+s15+$0x0] =	vst.idx.msk $0xffff, v33  }
0x72: {  	v55 =	vadd.s32 v11, v40;
	v54 =	vadd.s32 v32, v41;
	v41 =	vld [tilespmem:s25+$0xFFFFFFA0];
	[tilespmem:v56+s15+$0x0] =	vst.idx.msk $0xffff, v49  }
0x73: {  	v53 =	vadd.s32 v7, v47;
	v63 =	vld [tilespmem:s25+$0xFFFFFF60];
	[tilespmem:v39+s15+$0x0] =	vst.idx.msk $0xffff, v34  }
0x74: {  	v56 =	vld [tilespmem:s25+$0xFFFFFFE0];
	[tilespmem:v58+s15+$0x0] =	vst.idx.msk $0xffff, v57;
	v57 =	vadd.s32 v15, v42  }
0x75: {  	[tilespmem:v62+s15+$0x0] =	vst.idx.msk $0xffff, v61;
	v34 =	vld [tilespmem:s25+$0xF0]  }
0x76: {  	v58 =	vld [tilespmem:s25+$0x20];
	[tilespmem:v60+s15+$0x0] =	vst.idx.msk $0xffff, v59;
	v59 =	vadd.s32 v19, v44  }
0x77: {  	v61 =	vadd.s32 v23, v38;
	[tilespmem:v55+s15+$0x0] =	vst.idx.msk $0xffff, v41;
	v60 =	vld [tilespmem:s25+$0x60]  }
0x78: {  	[tilespmem:v53+s15+$0x0] =	vst.idx.msk $0xffff, v63;
	v63 =	vadd.s32 v27, v35;
	v62 =	vld [tilespmem:s25+$0xA0]  }
0x79: {  	v47 =	vadd.s32 v8, v47;
	v55 =	vld [tilespmem:s25+$0xFFFFFF70];
	[tilespmem:v57+s15+$0x0] =	vst.idx.msk $0xffff, v56  }
0x7a: {  	v53 =	vld [tilespmem:s25+$0xFFFFFF20];
	[tilespmem:v54+s15+$0x0] =	vst.idx.msk $0xffff, v34;
	v54 =	vadd.s32 v3, v46  }
0x7b: {  	v40 =	vadd.s32 v12, v40;
	v56 =	vld [tilespmem:s25+$0xFFFFFFB0];
	[tilespmem:v59+s15+$0x0] =	vst.idx.msk $0xffff, v58  }
0x7c: {  	v42 =	vadd.s32 v16, v42;
	v57 =	vld [tilespmem:s25+$0xFFFFFFF0];
	[tilespmem:v61+s15+$0x0] =	vst.idx.msk $0xffff, v60  }
0x7d: {  	v59 =	vadd.s32 v20, v44;
	v58 =	vld [tilespmem:s25+$0x30];
	[tilespmem:v63+s15+$0x0] =	vst.idx.msk $0xffff, v62  }
0x7e: {  	v38 =	vadd.s32 v24, v38;
	v60 =	vld [tilespmem:s25+$0x70];
	[tilespmem:v47+s15+$0x0] =	vst.idx.msk $0xffff, v55  }
0x7f: {  	v35 =	vadd.s32 v28, v35;
	v61 =	vld [tilespmem:s25+$0xB0];
	[tilespmem:v54+s15+$0x0] =	vst.idx.msk $0xffff, v53  }
0x80: {  	v63 =	vadd.s32 v4, v46;
	[tilespmem:v40+s15+$0x0] =	vst.idx.msk $0xffff, v56;
	v62 =	vld [tilespmem:s25+$0xFFFFFF30]  }
0x81: {  	s26 =	sand.u32 $0x2, s24;
	[tilespmem:v42+s15+$0x0] =	vst.idx.msk $0xffff, v57  }
0x82: {  	s23 =	sor.u32 s5, s26;
	[tilespmem:v59+s15+$0x0] =	vst.idx.msk $0xffff, v58;
	s25 =	sshll.u32 s21, $0x10  }
0x83: {  	s31 =	sshll.u32 s23, $0x7;
	[tilespmem:v38+s15+$0x0] =	vst.idx.msk $0xffff, v60;
	s25 =	sand.u32 $0x7E0000, s25  }
0x84: {  	s26 =	sand.u32 $0x3F00, s31;
	[tilespmem:v35+s15+$0x0] =	vst.idx.msk $0xffff, v61;
	s23 =	sadd.s32 s2, s25  }
0x85: {  	s31 =	simm.s32 $0xA400;
	s26 =	sadd.s32 s26, s23;
	[tilespmem:v63+s15+$0x0] =	vst.idx.msk $0xffff, v62  }
0x86: {  	[hbm4b:s26+s3] =	stream.linear.scatter [tilespmem:s31], [sflag:$0x3], $0x80, $0x38;
	[tilespmem:$0xE800] =	vst v63  }
0x87: {  	s28 =	sadd.s32 $0x10, s26;
	s31 =	simm.s32 $0xA488  }
0x88: {  	[hbm4b:s28+s3] =	stream.linear.scatter [tilespmem:s31], [sflag:$0x3], $0x80, $0x38;
	[tilespmem:$0xE800] =	vst v63  }
0x89: {  	s31 =	simm.s32 $0xA510;
	s28 =	sadd.s32 $0x20, s26  }
0x8a: {  	[hbm4b:s28+s3] =	stream.linear.scatter [tilespmem:s31], [sflag:$0x3], $0x80, $0x38;
	[tilespmem:$0xE800] =	vst v63  }
0x8b: {  	s31 =	simm.s32 $0xA598;
	s28 =	sadd.s32 $0x30, s26  }
0x8c: {  	[hbm4b:s28+s3] =	stream.linear.scatter [tilespmem:s31], [sflag:$0x3], $0x80, $0x38;
	[tilespmem:$0xE800] =	vst v63  }
0x8d: {  	s31 =	simm.s32 $0xA620;
	s28 =	sadd.s32 $0x40, s26  }
0x8e: {  	[hbm4b:s28+s3] =	stream.linear.scatter [tilespmem:s31], [sflag:$0x3], $0x80, $0x38;
	[tilespmem:$0xE800] =	vst v63  }
0x8f: {  	s29 =	simm.s32 $0xA7B8;
	s31 =	simm.s32 $0xA6A8;
	s28 =	sadd.s32 $0x50, s26  }
0x90: {  	[hbm4b:s28+s3] =	stream.linear.scatter [tilespmem:s31], [sflag:$0x3], $0x80, $0x38;
	[tilespmem:$0xE800] =	vst v63  }
0x91: {  	s25 =	simm.s32 $0x440;
	s31 =	simm.s32 $0xA730;
	s28 =	sadd.s32 $0x60, s26  }
0x92: {  	[hbm4b:s28+s3] =	stream.linear.scatter [tilespmem:s31], [sflag:$0x3], $0x80, $0x38;
	[tilespmem:$0xE800] =	vst v63  }
0x93: {  	s30 =	sadd.s32 $0x70, s26;
	s26 =	sadd.s32 $0x4000, s26;
	s28 =	simm.s32 $0x2200  }
.LBB2_5:
0x94: {  	[hbm4b:s30+s3] =	stream.linear.scatter [tilespmem:s29], [sflag:$0x3], $0x80, $0x38;
	[tilespmem:$0xE800] =	vst v63  }
0x95: {  	s29 =	smov.u32 s25;
	s25 =	smov.u32 s28  }
0x96: {  	s31 =	sadd.s32 $0x1100, s28;
	s25 =	sshra.s32 s25, $0x2;
	s30 =	sadd.s32 $0xA400, s29  }
0x97: {  	[hbm4b:s26+s3] =	stream.linear.scatter [tilespmem:s30], [sflag:$0x3], $0x80, $0x38;
	[tilespmem:$0xE800] =	vst v63  }
0x98: {  	p1 =	sne.s32 s28, $0x7700;
	s28 =	sadd.s32 $0xA488, s29;
	s30 =	sadd.s32 $0x10, s26  }
0x99: {  	[hbm4b:s30+s3] =	stream.linear.scatter [tilespmem:s28], [sflag:$0x3], $0x80, $0x38;
	[tilespmem:$0xE800] =	vst v63  }
0x9a: {  	s28 =	sadd.s32 $0xA510, s29;
	s30 =	sadd.s32 $0x20, s26  }
0x9b: {  	[hbm4b:s30+s3] =	stream.linear.scatter [tilespmem:s28], [sflag:$0x3], $0x80, $0x38;
	[tilespmem:$0xE800] =	vst v63  }
0x9c: {  	s28 =	sadd.s32 $0xA598, s29;
	s30 =	sadd.s32 $0x30, s26  }
0x9d: {  	[hbm4b:s30+s3] =	stream.linear.scatter [tilespmem:s28], [sflag:$0x3], $0x80, $0x38;
	[tilespmem:$0xE800] =	vst v63  }
0x9e: {  	s28 =	sadd.s32 $0xA620, s29;
	s30 =	sadd.s32 $0x40, s26  }
0x9f: {  	[hbm4b:s30+s3] =	stream.linear.scatter [tilespmem:s28], [sflag:$0x3], $0x80, $0x38;
	[tilespmem:$0xE800] =	vst v63  }
.Ltmp1:
0xa0: {  	s28 =	sadd.s32 $0xA6A8, s29;
	s30 =	sadd.s32 $0x50, s26;
	(pc) =	sbr.rel @p1 .LBB2_5-.Ltmp1, $4  }
0xa1: {  	[hbm4b:s30+s3] =	stream.linear.scatter [tilespmem:s28], [sflag:$0x3], $0x80, $0x38;
	[tilespmem:$0xE800] =	vst v63  }
0xa2: {  	s28 =	sadd.s32 $0xA730, s29;
	s30 =	sadd.s32 $0x60, s26;
	s29 =	sadd.s32 $0xA7B8, s29  }
0xa3: {  	[hbm4b:s30+s3] =	stream.linear.scatter [tilespmem:s28], [sflag:$0x3], $0x80, $0x38;
	[tilespmem:$0xE800] =	vst v63  }
0xa4: {  	s30 =	sadd.s32 $0x70, s26;
	s26 =	sadd.s32 $0x4000, s26;
	s28 =	smov.u32 s31  }
0xa5: {  	[hbm4b:s30+s3] =	stream.linear.scatter [tilespmem:s29], [sflag:$0x3], $0x80, $0x38;
	[tilespmem:$0xE800] =	vst v63  }
0xa6: {  	s28 =	sadd.s32 $0xA400, s25  }
0xa7: {  	[hbm4b:s26+s3] =	stream.linear.scatter [tilespmem:s28], [sflag:$0x3], $0x80, $0x38;
	[tilespmem:$0xE800] =	vst v63  }
0xa8: {  	s30 =	sadd.s32 $0xA488, s25;
	s31 =	sadd.s32 $0x10, s26  }
0xa9: {  	[hbm4b:s31+s3] =	stream.linear.scatter [tilespmem:s30], [sflag:$0x3], $0x80, $0x38;
	[tilespmem:$0xE800] =	vst v63  }
0xaa: {  	s30 =	sadd.s32 $0xA510, s25;
	s31 =	sadd.s32 $0x20, s26  }
0xab: {  	[hbm4b:s31+s3] =	stream.linear.scatter [tilespmem:s30], [sflag:$0x3], $0x80, $0x38;
	[tilespmem:$0xE800] =	vst v63  }
0xac: {  	s30 =	sadd.s32 $0xA598, s25;
	s31 =	sadd.s32 $0x30, s26  }
0xad: {  	[hbm4b:s31+s3] =	stream.linear.scatter [tilespmem:s30], [sflag:$0x3], $0x80, $0x38;
	[tilespmem:$0xE800] =	vst v63  }
0xae: {  	s30 =	sadd.s32 $0xA620, s25;
	s31 =	sadd.s32 $0x40, s26  }
0xaf: {  	[hbm4b:s31+s3] =	stream.linear.scatter [tilespmem:s30], [sflag:$0x3], $0x80, $0x38;
	[tilespmem:$0xE800] =	vst v63  }
0xb0: {  	p1 =	sne.s32 s21, $0x63;
	s30 =	sadd.s32 $0xA6A8, s25;
	s31 =	sadd.s32 $0x50, s26  }
0xb1: {  	[hbm4b:s31+s3] =	stream.linear.scatter [tilespmem:s30], [sflag:$0x3], $0x80, $0x38;
	[tilespmem:$0xE800] =	vst v63  }
.Ltmp2:
0xb2: {  	_ = 	snop;
	(pc) =	sbr.rel @p1 .LBB2_8-.Ltmp2, $4  }
0xb3: {  	s30 =	sadd.s32 $0xA730, s25;
	s31 =	sadd.s32 $0x60, s26  }
0xb4: {  	[hbm4b:s31+s3] =	stream.linear.scatter [tilespmem:s30], [sflag:$0x3], $0x80, $0x38;
	[tilespmem:$0xE800] =	vst v63  }
0xb5: {  	s30 =	sadd.s32 $0xA7B8, s25;
	s31 =	sadd.s32 $0x70, s26  }
0xb6: {  	[hbm4b:s31+s3] =	stream.linear.scatter [tilespmem:s30], [sflag:$0x3], $0x80, $0x38;
	[tilespmem:$0xE800] =	vst v63  }
.Ltmp3:
0xb7: {  	(pc) =	sbr.rel .LBB2_9-.Ltmp3, $4  }
0xb8: {  	_ = 	snop  }
0xb9: {  	_ =	swait.ge [sflag:s16], $0x2000  }
0xba: {  	[sflag:s16] =	ssyncset.done $0x0  }
0xbb: {  	[sflag:s16] =	ssyncadd.s32 $0xFFFFE000  }
.LBB2_8:
0xbc: {  	s24 =	sshll.u32 s24, $0x7  }
0xbd: {  	s24 =	sadd.s32 $0x100, s24  }
.Ltmp4:
0xbe: {  	s24 =	sand.u32 $0xFF00, s24;
	(pc) =	sbr.rel @p0 .LBB2_10-.Ltmp4, $4  }
0xbf: {  	[tilespmem:s12], [sflag:$0x1] =	stream.indirect.gather [hbm4b:s4+s11], $0x40, s24, s11, $0xb8;
	[tilespmem:$0xE800] =	vst v63  }
0xc0: {  	_ =	swait.ge [sflag:s16], $0x2000  }
0xc1: {  	[sflag:s16] =	ssyncset.done $0x0  }
0xc2: {  	[sflag:s16] =	ssyncadd.s32 $0xFFFFE000  }
.LBB2_9:
0xc3: {  	_ =	swait.ge [sflag:s17], $0x2000  }
0xc4: {  	[sflag:s17] =	ssyncset.done $0x0  }
0xc5: {  	[sflag:s17] =	ssyncadd.s32 $0xFFFFE000  }
.LBB2_10:
0xc6: {  	s24 =	simm.s32 $0x0;
	s29 =	simm.s32 $0x1;
	s25 =	simm.s32 $0x2  }
0xc7: {  	s30 =	simm.s32 $0x3;
	s31 =	simm.s32 $0x4;
	s26 =	simm.s32 $0x7;
	v33 =	vmov s24;
	v34 =	vmov s29;
	v35 =	vmov s25  }
0xc8: {  	s28 =	simm.s32 $0x5;
	v36 =	vmov s30;
	v37 =	vmov s31;
	v38 =	vmov s26  }
0xc9: {  	v39 =	vmov s28;
	s29 =	simm.s32 $0x6;
	v33 =	vshrl.u32 v33, $0x3;
	v38 =	vshrl.u32 v38, $0x3  }
0xca: {  	v40 =	vmov s29;
	v34 =	vshrl.u32 v34, $0x3;
	v35 =	vshrl.u32 v35, $0x3  }
0xcb: {  	v36 =	vshrl.u32 v36, $0x3;
	v37 =	vshrl.u32 v37, $0x3;
	v38 =	vshll.u32 v38, v1  }
0xcc: {  	v55 =	vshrl.u32 v39, $0x3;
	v33 =	vshll.u32 v33, v1;
	v38 =	vbroadcast v38, $0x0  }
0xcd: {  	s24 =	simm.s32 $0x8500;
	v34 =	vshll.u32 v34, v1;
	v52 =	vshll.u32 v35, v1;
	v33 =	vbroadcast v33, $0x0  }
0xce: {  	v41 =	vld [tilespmem:s24+$0xC0];
	v53 =	vshll.u32 v36, v1;
	v45 =	vbroadcast v34, $0x0;
	v42 =	vadd.s32 v29, v38  }
0xcf: {  	v43 =	vld [tilespmem:s24+$0xFFFFFF00];
	v54 =	vshll.u32 v37, v1;
	v52 =	vbroadcast v52, $0x0;
	v44 =	vadd.s32 v0, v33  }
0xd0: {  	v46 =	vld [tilespmem:s24+$0xFFFFFF40];
	v36 =	vshll.u32 v55, v1;
	v35 =	vbroadcast v53, $0x0;
	v47 =	vadd.s32 v5, v45  }
0xd1: {  	v48 =	vld [tilespmem:s24+$0xFFFFFF80];
	v40 =	vshrl.u32 v40, $0x3;
	v34 =	vbroadcast v54, $0x0;
	v49 =	vadd.s32 v9, v52  }
0xd2: {  	v39 =	vld [tilespmem:s24+$0xFFFFFFC0];
	v37 =	vbroadcast v36, $0x0;
	v56 =	vshll.u32 v40, v1;
	v50 =	vadd.s32 v13, v35  }
0xd3: {  	v51 =	vld [tilespmem:s24+$0x0];
	v36 =	vbroadcast v56, $0x0;
	v53 =	vadd.s32 v17, v34;
	[tilespmem:v42+s18+$0x0] =	vst.idx.msk $0xffff, v41  }
0xd4: {  	v59 =	vld [tilespmem:s24+$0x40];
	v60 =	vadd.s32 v21, v37;
	[tilespmem:v44+s18+$0x0] =	vst.idx.msk $0xffff, v43  }
0xd5: {  	v61 =	vld [tilespmem:s24+$0x80];
	v62 =	vadd.s32 v25, v36;
	[tilespmem:v47+s18+$0x0] =	vst.idx.msk $0xffff, v46  }
0xd6: {  	v58 =	vadd.s32 v30, v38;
	[tilespmem:v49+s18+$0x0] =	vst.idx.msk $0xffff, v48;
	v57 =	vld [tilespmem:s24+$0xD0]  }
0xd7: {  	v63 =	vadd.s32 v6, v45;
	[tilespmem:v50+s18+$0x0] =	vst.idx.msk $0xffff, v39;
	v47 =	vld [tilespmem:s24+$0xFFFFFF50]  }
0xd8: {  	v55 =	vadd.s32 v10, v52;
	[tilespmem:v53+s18+$0x0] =	vst.idx.msk $0xffff, v51;
	v54 =	vld [tilespmem:s24+$0xFFFFFF90]  }
0xd9: {  	v56 =	vadd.s32 v14, v35;
	[tilespmem:v60+s18+$0x0] =	vst.idx.msk $0xffff, v59;
	v50 =	vld [tilespmem:s24+$0xFFFFFFD0]  }
0xda: {  	v46 =	vadd.s32 v22, v37;
	[tilespmem:v62+s18+$0x0] =	vst.idx.msk $0xffff, v61;
	v44 =	vld [tilespmem:s24+$0x50]  }
0xdb: {  	v59 =	vadd.s32 v18, v34;
	[tilespmem:v58+s18+$0x0] =	vst.idx.msk $0xffff, v57;
	v58 =	vld [tilespmem:s24+$0x10]  }
0xdc: {  	v57 =	vadd.s32 v31, v38;
	[tilespmem:v63+s18+$0x0] =	vst.idx.msk $0xffff, v47;
	v40 =	vld [tilespmem:s24+$0xE0]  }
0xdd: {  	v60 =	vadd.s32 v26, v36;
	[tilespmem:v55+s18+$0x0] =	vst.idx.msk $0xffff, v54;
	v63 =	vld [tilespmem:s24+$0x90]  }
0xde: {  	v61 =	vld [tilespmem:s24+$0xFFFFFF10];
	v62 =	vadd.s32 v2, v33;
	[tilespmem:v56+s18+$0x0] =	vst.idx.msk $0xffff, v50  }
0xdf: {  	v51 =	vadd.s32 v7, v45;
	[tilespmem:v46+s18+$0x0] =	vst.idx.msk $0xffff, v44;
	v50 =	vld [tilespmem:s24+$0xFFFFFF60]  }
0xe0: {  	v56 =	vadd.s32 v11, v52;
	v55 =	vld [tilespmem:s24+$0xFFFFFFA0];
	[tilespmem:v59+s18+$0x0] =	vst.idx.msk $0xffff, v58  }
0xe1: {  	v58 =	vadd.s32 v15, v35;
	[tilespmem:v57+s18+$0x0] =	vst.idx.msk $0xffff, v40;
	v57 =	vld [tilespmem:s24+$0xFFFFFFE0]  }
0xe2: {  	[tilespmem:v60+s18+$0x0] =	vst.idx.msk $0xffff, v63;
	v60 =	vadd.s32 v19, v34;
	v59 =	vld [tilespmem:s24+$0x20]  }
0xe3: {  	s31 =	simm.s32 $0x9;
	v38 =	vadd.s32 v32, v38;
	[tilespmem:v62+s18+$0x0] =	vst.idx.msk $0xffff, v61;
	v54 =	vld [tilespmem:s24+$0xF0]  }
0xe4: {  	s30 =	simm.s32 $0x8;
	v41 =	vadd.s32 v23, v37;
	v53 =	vmov s31;
	[tilespmem:v51+s18+$0x0] =	vst.idx.msk $0xffff, v50;
	v40 =	vld [tilespmem:s24+$0x60]  }
0xe5: {  	s28 =	simm.s32 $0xB;
	s29 =	simm.s32 $0xC;
	v43 =	vadd.s32 v27, v36;
	v48 =	vadd.s32 v3, v33;
	v63 =	vmov s30;
	v42 =	vld [tilespmem:s24+$0xA0];
	[tilespmem:v56+s18+$0x0] =	vst.idx.msk $0xffff, v55  }
0xe6: {  	s31 =	simm.s32 $0xE;
	v44 =	vmov s28;
	v47 =	vmov s29;
	v46 =	vld [tilespmem:s24+$0xFFFFFF20];
	v39 =	vshrl.u32 v63, $0x3;
	[tilespmem:v58+s18+$0x0] =	vst.idx.msk $0xffff, v57  }
0xe7: {  	s26 =	simm.s32 $0xA;
	s30 =	simm.s32 $0xD;
	v51 =	vadd.s32 v8, v45;
	v49 =	vld [tilespmem:s24+$0xFFFFFF70];
	v45 =	vshll.u32 v39, v1;
	v39 =	vmov s31;
	[tilespmem:v60+s18+$0x0] =	vst.idx.msk $0xffff, v59  }
0xe8: {  	s25 =	simm.s32 $0x10;
	v52 =	vadd.s32 v12, v52;
	v50 =	vld [tilespmem:s24+$0xFFFFFFB0];
	[tilespmem:v38+s18+$0x0] =	vst.idx.msk $0xffff, v54;
	v54 =	vmov s26;
	v38 =	vmov s30;
	s26 =	simm.s32 $0xF  }
.LBB2_11:
0xe9: {  	p0 =	slt.u32 s25, $0x78;
	v53 =	vshrl.u32 v53, $0x3;
	v55 =	vmov s26;
	v56 =	vld [tilespmem:s24+$0xFFFFFFF0];
	v35 =	vadd.s32 v16, v35;
	[tilespmem:v41+s18+$0x0] =	vst.idx.msk $0xffff, v40  }
0xea: {  	v40 =	vshrl.u32 v54, $0x3;
	v34 =	vadd.s32 v20, v34;
	v41 =	vshrl.u32 v55, $0x3;
	v54 =	vld [tilespmem:s24+$0x30];
	[tilespmem:v43+s18+$0x0] =	vst.idx.msk $0xffff, v42  }
0xeb: {  	v37 =	vadd.s32 v24, v37;
	v42 =	vshrl.u32 v44, $0x3;
	v41 =	vshll.u32 v41, v1;
	[tilespmem:v48+s18+$0x0] =	vst.idx.msk $0xffff, v46;
	v43 =	vld [tilespmem:s24+$0x70]  }
0xec: {  	v36 =	vadd.s32 v28, v36;
	v44 =	vshrl.u32 v47, $0x3;
	v41 =	vbroadcast v41, $0x0;
	[tilespmem:v51+s18+$0x0] =	vst.idx.msk $0xffff, v49;
	v46 =	vld [tilespmem:s24+$0xB0]  }
0xed: {  	v47 =	vshll.u32 v53, v1;
	v49 =	vadd.s32 v4, v33;
	v33 =	vbroadcast v45, $0x0;
	v48 =	vld [tilespmem:s24+$0xFFFFFF30];
	[tilespmem:v52+s18+$0x0] =	vst.idx.msk $0xffff, v50;
	s24 =	sadd.s32 $0x200, s24  }
0xee: {  	v40 =	vshll.u32 v40, v1;
	v45 =	vbroadcast v47, $0x0;
	v47 =	vld [tilespmem:s24+$0xC0];
	v50 =	vadd.s32 v29, v41;
	[tilespmem:v35+s18+$0x0] =	vst.idx.msk $0xffff, v56  }
0xef: {  	v55 =	vbroadcast v40, $0x0;
	v52 =	vadd.s32 v0, v33;
	v35 =	vshll.u32 v42, v1;
	v51 =	vld [tilespmem:s24+$0xFFFFFF00];
	[tilespmem:v34+s18+$0x0] =	vst.idx.msk $0xffff, v54  }
0xf0: {  	v42 =	vadd.s32 v5, v45;
	v35 =	vbroadcast v35, $0x0;
	v34 =	vshll.u32 v44, v1;
	v40 =	vld [tilespmem:s24+$0xFFFFFF40];
	[tilespmem:v37+s18+$0x0] =	vst.idx.msk $0xffff, v43  }
0xf1: {  	v44 =	vadd.s32 v9, v55;
	v34 =	vbroadcast v34, $0x0;
	v37 =	vshrl.u32 v38, $0x3;
	v43 =	vld [tilespmem:s24+$0xFFFFFF80];
	[tilespmem:v36+s18+$0x0] =	vst.idx.msk $0xffff, v46  }
0xf2: {  	v39 =	vshrl.u32 v39, $0x3;
	v46 =	vadd.s32 v13, v35;
	v36 =	vshll.u32 v37, v1;
	v38 =	vld [tilespmem:s24+$0xFFFFFFC0];
	[tilespmem:v49+s18+$0x0] =	vst.idx.msk $0xffff, v48  }
0xf3: {  	v49 =	vadd.s32 v17, v34;
	v37 =	vbroadcast v36, $0x0;
	v36 =	vshll.u32 v39, v1;
	v48 =	vld [tilespmem:s24+$0x0];
	[tilespmem:v50+s18+$0x0] =	vst.idx.msk $0xffff, v47  }
0xf4: {  	v36 =	vbroadcast v36, $0x0;
	v47 =	vadd.s32 v30, v41;
	[tilespmem:v52+s18+$0x0] =	vst.idx.msk $0xffff, v51;
	v39 =	vld [tilespmem:s24+$0xD0]  }
0xf5: {  	[tilespmem:v42+s18+$0x0] =	vst.idx.msk $0xffff, v40;
	v40 =	vld [tilespmem:s24+$0x40];
	v42 =	vadd.s32 v21, v37  }
0xf6: {  	[tilespmem:v44+s18+$0x0] =	vst.idx.msk $0xffff, v43;
	v43 =	vld [tilespmem:s24+$0x80];
	v44 =	vadd.s32 v25, v36  }
0xf7: {  	v51 =	vadd.s32 v6, v45;
	v50 =	vld [tilespmem:s24+$0xFFFFFF50];
	[tilespmem:v46+s18+$0x0] =	vst.idx.msk $0xffff, v38  }
0xf8: {  	v46 =	vadd.s32 v10, v55;
	v38 =	vld [tilespmem:s24+$0xFFFFFF90];
	[tilespmem:v49+s18+$0x0] =	vst.idx.msk $0xffff, v48  }
0xf9: {  	v49 =	vadd.s32 v14, v35;
	v48 =	vld [tilespmem:s24+$0xFFFFFFD0];
	[tilespmem:v47+s18+$0x0] =	vst.idx.msk $0xffff, v39  }
0xfa: {  	[tilespmem:v42+s18+$0x0] =	vst.idx.msk $0xffff, v40;
	v39 =	vld [tilespmem:s24+$0xE0];
	v40 =	vadd.s32 v31, v41  }
0xfb: {  	v47 =	vadd.s32 v18, v34;
	v42 =	vld [tilespmem:s24+$0x10];
	[tilespmem:v44+s18+$0x0] =	vst.idx.msk $0xffff, v43  }
0xfc: {  	v44 =	vadd.s32 v22, v37;
	[tilespmem:v51+s18+$0x0] =	vst.idx.msk $0xffff, v50;
	v43 =	vld [tilespmem:s24+$0x50]  }
0xfd: {  	[tilespmem:v46+s18+$0x0] =	vst.idx.msk $0xffff, v38;
	v38 =	vld [tilespmem:s24+$0x90];
	v46 =	vadd.s32 v26, v36  }
0xfe: {  	v51 =	vadd.s32 v2, v33;
	v50 =	vld [tilespmem:s24+$0xFFFFFF10];
	[tilespmem:v49+s18+$0x0] =	vst.idx.msk $0xffff, v48  }
0xff: {  	v49 =	vadd.s32 v7, v45;
	v48 =	vld [tilespmem:s24+$0xFFFFFF60];
	[tilespmem:v40+s18+$0x0] =	vst.idx.msk $0xffff, v39  }
0x100: {  	[tilespmem:v47+s18+$0x0] =	vst.idx.msk $0xffff, v42;
	v39 =	vld [tilespmem:s24+$0xF0];
	v47 =	vadd.s32 v32, v41  }
0x101: {  	v56 =	vadd.s32 v11, v55;
	v52 =	vld [tilespmem:s24+$0xFFFFFFA0];
	[tilespmem:v44+s18+$0x0] =	vst.idx.msk $0xffff, v43  }
0x102: {  	v58 =	vadd.s32 v15, v35;
	v57 =	vld [tilespmem:s24+$0xFFFFFFE0];
	[tilespmem:v46+s18+$0x0] =	vst.idx.msk $0xffff, v38  }
0x103: {  	v60 =	vadd.s32 v19, v34;
	[tilespmem:v51+s18+$0x0] =	vst.idx.msk $0xffff, v50;
	v59 =	vld [tilespmem:s24+$0x20]  }
.Ltmp5:
0x104: {  	s26 =	sadd.s32 $0x1, s25;
	v41 =	vadd.s32 v23, v37;
	v38 =	vmov s25;
	[tilespmem:v49+s18+$0x0] =	vst.idx.msk $0xffff, v48;
	v40 =	vld [tilespmem:s24+$0x60];
	(pc) =	sbr.rel @p0 .LBB2_11-.Ltmp5, $4  }
0x105: {  	s28 =	sadd.s32 $0x3, s25;
	v53 =	vmov s26;
	s26 =	sadd.s32 $0x2, s25;
	v43 =	vadd.s32 v27, v36;
	v50 =	vshrl.u32 v38, $0x3;
	v42 =	vld [tilespmem:s24+$0xA0];
	[tilespmem:v47+s18+$0x0] =	vst.idx.msk $0xffff, v39  }
0x106: {  	v54 =	vmov s26;
	s26 =	sadd.s32 $0x4, s25;
	v44 =	vmov s28;
	s28 =	sadd.s32 $0x5, s25;
	v48 =	vadd.s32 v3, v33;
	v46 =	vld [tilespmem:s24+$0xFFFFFF20];
	[tilespmem:v56+s18+$0x0] =	vst.idx.msk $0xffff, v52  }
0x107: {  	v38 =	vmov s28;
	v51 =	vadd.s32 v8, v45;
	v47 =	vmov s26;
	s26 =	sadd.s32 $0x6, s25;
	v49 =	vld [tilespmem:s24+$0xFFFFFF70];
	[tilespmem:v58+s18+$0x0] =	vst.idx.msk $0xffff, v57  }
0x108: {  	v45 =	vshll.u32 v50, v1;
	v39 =	vmov s26;
	s26 =	sadd.s32 $0x7, s25;
	s25 =	sadd.s32 $0x8, s25;
	v52 =	vadd.s32 v12, v55;
	v50 =	vld [tilespmem:s24+$0xFFFFFFB0];
	[tilespmem:v60+s18+$0x0] =	vst.idx.msk $0xffff, v59  }
0x109: {  	_ =	sdelay $0x2  }
0x10a: {  	v53 =	vshrl.u32 v53, $0x3  }
0x10b: {  	v55 =	vmov s26;
	v56 =	vld [tilespmem:s24+$0xFFFFFFF0];
	v35 =	vadd.s32 v16, v35;
	[tilespmem:v41+s18+$0x0] =	vst.idx.msk $0xffff, v40;
	v57 =	vshrl.u32 v54, $0x3  }
0x10c: {  	v59 =	vld [tilespmem:s24+$0x30];
	v34 =	vadd.s32 v20, v34;
	v60 =	vshrl.u32 v44, $0x3;
	v58 =	vshrl.u32 v55, $0x3;
	[tilespmem:v43+s18+$0x0] =	vst.idx.msk $0xffff, v42  }
0x10d: {  	v37 =	vadd.s32 v24, v37;
	v62 =	vshrl.u32 v47, $0x3;
	v61 =	vld [tilespmem:s24+$0x70];
	v41 =	vshll.u32 v58, v1;
	[tilespmem:v48+s18+$0x0] =	vst.idx.msk $0xffff, v46  }
0x10e: {  	v36 =	vadd.s32 v28, v36;
	v45 =	vbroadcast v45, $0x0;
	v63 =	vld [tilespmem:s24+$0xB0];
	v41 =	vbroadcast v41, $0x0;
	[tilespmem:v51+s18+$0x0] =	vst.idx.msk $0xffff, v49  }
0x10f: {  	v33 =	vadd.s32 v4, v33;
	s31 =	sadd.s32 $0x200, s24;
	v38 =	vshrl.u32 v38, $0x3;
	v55 =	vshll.u32 v53, v1;
	v48 =	vld [tilespmem:s24+$0xFFFFFF30];
	[tilespmem:v52+s18+$0x0] =	vst.idx.msk $0xffff, v50  }
0x110: {  	v40 =	vshll.u32 v57, v1;
	v47 =	vbroadcast v55, $0x0;
	v49 =	vld [tilespmem:s31+$0xC0];
	v50 =	vadd.s32 v29, v41;
	[tilespmem:v35+s18+$0x0] =	vst.idx.msk $0xffff, v56  }
0x111: {  	v42 =	vshll.u32 v60, v1;
	v40 =	vbroadcast v40, $0x0;
	v35 =	vld [tilespmem:s31+$0xFFFFFF00];
	v56 =	vadd.s32 v0, v45;
	[tilespmem:v34+s18+$0x0] =	vst.idx.msk $0xffff, v59  }
0x112: {  	v57 =	vld [tilespmem:s31+$0xFFFFFF40];
	v44 =	vshll.u32 v62, v1;
	v42 =	vbroadcast v42, $0x0;
	v58 =	vadd.s32 v5, v47;
	[tilespmem:v37+s18+$0x0] =	vst.idx.msk $0xffff, v61  }
0x113: {  	v38 =	vshll.u32 v38, v1;
	v44 =	vbroadcast v44, $0x0;
	v60 =	vadd.s32 v9, v40;
	v59 =	vld [tilespmem:s31+$0xFFFFFF80];
	[tilespmem:v36+s18+$0x0] =	vst.idx.msk $0xffff, v63  }
0x114: {  	v38 =	vbroadcast v38, $0x0;
	v62 =	vadd.s32 v13, v42;
	v61 =	vld [tilespmem:s31+$0xFFFFFFC0];
	[tilespmem:v33+s18+$0x0] =	vst.idx.msk $0xffff, v48  }
0x115: {  	v39 =	vshrl.u32 v39, $0x3;
	v63 =	vadd.s32 v17, v44;
	v33 =	vld [tilespmem:s31+$0x0];
	[tilespmem:v50+s18+$0x0] =	vst.idx.msk $0xffff, v49  }
0x116: {  	v39 =	vshll.u32 v39, v1;
	v34 =	vld [tilespmem:s31+$0x40];
	[tilespmem:v56+s18+$0x0] =	vst.idx.msk $0xffff, v35;
	v56 =	vadd.s32 v21, v38  }
0x117: {  	[tilespmem:v58+s18+$0x0] =	vst.idx.msk $0xffff, v57;
	v35 =	vbroadcast v39, $0x0;
	v49 =	vadd.s32 v30, v41;
	v39 =	vld [tilespmem:s31+$0xD0]  }
0x118: {  	[tilespmem:v60+s18+$0x0] =	vst.idx.msk $0xffff, v59;
	v59 =	vld [tilespmem:s31+$0xFFFFFF50];
	v60 =	vadd.s32 v6, v47  }
0x119: {  	v57 =	vld [tilespmem:s31+$0x80];
	[tilespmem:v62+s18+$0x0] =	vst.idx.msk $0xffff, v61;
	v58 =	vadd.s32 v25, v35  }
0x11a: {  	v61 =	vld [tilespmem:s31+$0xFFFFFF90];
	v62 =	vadd.s32 v10, v40;
	[tilespmem:v63+s18+$0x0] =	vst.idx.msk $0xffff, v33  }
0x11b: {  	v33 =	vld [tilespmem:s31+$0xFFFFFFD0];
	v63 =	vadd.s32 v14, v42;
	[tilespmem:v56+s18+$0x0] =	vst.idx.msk $0xffff, v34  }
0x11c: {  	v56 =	vadd.s32 v18, v44;
	[tilespmem:v49+s18+$0x0] =	vst.idx.msk $0xffff, v39;
	v49 =	vld [tilespmem:s31+$0x10]  }
0x11d: {  	[tilespmem:v60+s18+$0x0] =	vst.idx.msk $0xffff, v59;
	v39 =	vadd.s32 v31, v41;
	v34 =	vld [tilespmem:s31+$0xE0]  }
0x11e: {  	[tilespmem:v58+s18+$0x0] =	vst.idx.msk $0xffff, v57;
	v57 =	vld [tilespmem:s31+$0x50];
	v58 =	vadd.s32 v22, v38  }
0x11f: {  	[tilespmem:v62+s18+$0x0] =	vst.idx.msk $0xffff, v61;
	v61 =	vld [tilespmem:s31+$0xFFFFFF10];
	v62 =	vadd.s32 v2, v45  }
0x120: {  	v60 =	vadd.s32 v26, v35;
	v59 =	vld [tilespmem:s31+$0x90];
	[tilespmem:v63+s18+$0x0] =	vst.idx.msk $0xffff, v33  }
0x121: {  	v55 =	vadd.s32 v11, v40;
	v54 =	vadd.s32 v32, v41;
	v41 =	vld [tilespmem:s31+$0xFFFFFFA0];
	[tilespmem:v56+s18+$0x0] =	vst.idx.msk $0xffff, v49  }
0x122: {  	v53 =	vadd.s32 v7, v47;
	v63 =	vld [tilespmem:s31+$0xFFFFFF60];
	[tilespmem:v39+s18+$0x0] =	vst.idx.msk $0xffff, v34  }
0x123: {  	v56 =	vld [tilespmem:s31+$0xFFFFFFE0];
	[tilespmem:v58+s18+$0x0] =	vst.idx.msk $0xffff, v57;
	v57 =	vadd.s32 v15, v42  }
0x124: {  	[tilespmem:v62+s18+$0x0] =	vst.idx.msk $0xffff, v61;
	v34 =	vld [tilespmem:s31+$0xF0]  }
0x125: {  	v58 =	vld [tilespmem:s31+$0x20];
	[tilespmem:v60+s18+$0x0] =	vst.idx.msk $0xffff, v59;
	v59 =	vadd.s32 v19, v44  }
0x126: {  	v61 =	vadd.s32 v23, v38;
	[tilespmem:v55+s18+$0x0] =	vst.idx.msk $0xffff, v41;
	v60 =	vld [tilespmem:s31+$0x60]  }
0x127: {  	[tilespmem:v53+s18+$0x0] =	vst.idx.msk $0xffff, v63;
	v63 =	vadd.s32 v27, v35;
	v62 =	vld [tilespmem:s31+$0xA0]  }
0x128: {  	v47 =	vadd.s32 v8, v47;
	v55 =	vld [tilespmem:s31+$0xFFFFFF70];
	[tilespmem:v57+s18+$0x0] =	vst.idx.msk $0xffff, v56  }
0x129: {  	v53 =	vld [tilespmem:s31+$0xFFFFFF20];
	[tilespmem:v54+s18+$0x0] =	vst.idx.msk $0xffff, v34;
	v54 =	vadd.s32 v3, v45  }
0x12a: {  	v40 =	vadd.s32 v12, v40;
	v56 =	vld [tilespmem:s31+$0xFFFFFFB0];
	[tilespmem:v59+s18+$0x0] =	vst.idx.msk $0xffff, v58  }
0x12b: {  	v42 =	vadd.s32 v16, v42;
	v57 =	vld [tilespmem:s31+$0xFFFFFFF0];
	[tilespmem:v61+s18+$0x0] =	vst.idx.msk $0xffff, v60  }
0x12c: {  	v59 =	vadd.s32 v20, v44;
	v58 =	vld [tilespmem:s31+$0x30];
	[tilespmem:v63+s18+$0x0] =	vst.idx.msk $0xffff, v62  }
0x12d: {  	v38 =	vadd.s32 v24, v38;
	v60 =	vld [tilespmem:s31+$0x70];
	[tilespmem:v47+s18+$0x0] =	vst.idx.msk $0xffff, v55  }
0x12e: {  	v35 =	vadd.s32 v28, v35;
	v61 =	vld [tilespmem:s31+$0xB0];
	[tilespmem:v54+s18+$0x0] =	vst.idx.msk $0xffff, v53  }
0x12f: {  	v63 =	vadd.s32 v4, v45;
	[tilespmem:v40+s18+$0x0] =	vst.idx.msk $0xffff, v56;
	v62 =	vld [tilespmem:s31+$0xFFFFFF30]  }
0x130: {  	[tilespmem:v42+s18+$0x0] =	vst.idx.msk $0xffff, v57  }
0x131: {  	s22 =	sand.u32 $0x3, s22;
	[tilespmem:v59+s18+$0x0] =	vst.idx.msk $0xffff, v58  }
0x132: {  	s22 =	sor.u32 s5, s22;
	[tilespmem:v38+s18+$0x0] =	vst.idx.msk $0xffff, v60  }
0x133: {  	s22 =	sshll.u32 s22, $0x7;
	[tilespmem:v35+s18+$0x0] =	vst.idx.msk $0xffff, v61  }
0x134: {  	s23 =	sadd.s32 s22, s23;
	s24 =	simm.s32 $0xC600;
	[tilespmem:v63+s18+$0x0] =	vst.idx.msk $0xffff, v62  }
0x135: {  	[hbm4b:s23+s3] =	stream.linear.scatter [tilespmem:s24], [sflag:$0x4], $0x80, $0x38;
	[tilespmem:$0xE800] =	vst v63  }
0x136: {  	s25 =	simm.s32 $0xC688;
	s26 =	sadd.s32 $0x10, s23  }
0x137: {  	[hbm4b:s26+s3] =	stream.linear.scatter [tilespmem:s25], [sflag:$0x4], $0x80, $0x38;
	[tilespmem:$0xE800] =	vst v63  }
0x138: {  	s28 =	simm.s32 $0xC710;
	s30 =	simm.s32 $0xC798;
	s29 =	sadd.s32 $0x20, s23  }
0x139: {  	[hbm4b:s29+s3] =	stream.linear.scatter [tilespmem:s28], [sflag:$0x4], $0x80, $0x38;
	[tilespmem:$0xE800] =	vst v63  }
0x13a: {  	s22 =	simm.s32 $0x440;
	s31 =	sadd.s32 $0x30, s23;
	s24 =	simm.s32 $0x2200  }
0x13b: {  	[hbm4b:s31+s3] =	stream.linear.scatter [tilespmem:s30], [sflag:$0x4], $0x80, $0x38;
	[tilespmem:$0xE800] =	vst v63  }
0x13c: {  	s25 =	simm.s32 $0xC820;
	s26 =	sadd.s32 $0x40, s23;
	s28 =	simm.s32 $0xC8A8  }
0x13d: {  	[hbm4b:s26+s3] =	stream.linear.scatter [tilespmem:s25], [sflag:$0x4], $0x80, $0x38;
	[tilespmem:$0xE800] =	vst v63  }
0x13e: {  	s29 =	sadd.s32 $0x50, s23;
	s30 =	simm.s32 $0xC930;
	s31 =	sadd.s32 $0x60, s23  }
0x13f: {  	[hbm4b:s29+s3] =	stream.linear.scatter [tilespmem:s28], [sflag:$0x4], $0x80, $0x38;
	[tilespmem:$0xE800] =	vst v63  }
0x140: {  	s25 =	simm.s32 $0xC9B8;
	s26 =	sadd.s32 $0x70, s23;
	s23 =	sadd.s32 $0x4000, s23  }
0x141: {  	[hbm4b:s31+s3] =	stream.linear.scatter [tilespmem:s30], [sflag:$0x4], $0x80, $0x38;
	[tilespmem:$0xE800] =	vst v63  }
.LBB2_13:
0x142: {  	[hbm4b:s26+s3] =	stream.linear.scatter [tilespmem:s25], [sflag:$0x4], $0x80, $0x38;
	[tilespmem:$0xE800] =	vst v63  }
0x143: {  	s25 =	smov.u32 s22;
	s22 =	smov.u32 s24  }
0x144: {  	s28 =	sadd.s32 $0x1100, s24;
	s22 =	sshra.s32 s22, $0x2;
	s26 =	sadd.s32 $0xC600, s25  }
0x145: {  	[hbm4b:s23+s3] =	stream.linear.scatter [tilespmem:s26], [sflag:$0x4], $0x80, $0x38;
	[tilespmem:$0xE800] =	vst v63  }
0x146: {  	p0 =	sne.s32 s24, $0x7700;
	s24 =	sadd.s32 $0xC688, s25;
	s26 =	sadd.s32 $0x10, s23  }
0x147: {  	[hbm4b:s26+s3] =	stream.linear.scatter [tilespmem:s24], [sflag:$0x4], $0x80, $0x38;
	[tilespmem:$0xE800] =	vst v63  }
0x148: {  	s24 =	sadd.s32 $0xC710, s25;
	s26 =	sadd.s32 $0x20, s23  }
0x149: {  	[hbm4b:s26+s3] =	stream.linear.scatter [tilespmem:s24], [sflag:$0x4], $0x80, $0x38;
	[tilespmem:$0xE800] =	vst v63  }
0x14a: {  	s24 =	sadd.s32 $0xC798, s25;
	s26 =	sadd.s32 $0x30, s23  }
0x14b: {  	[hbm4b:s26+s3] =	stream.linear.scatter [tilespmem:s24], [sflag:$0x4], $0x80, $0x38;
	[tilespmem:$0xE800] =	vst v63  }
0x14c: {  	s24 =	sadd.s32 $0xC820, s25;
	s26 =	sadd.s32 $0x40, s23  }
0x14d: {  	[hbm4b:s26+s3] =	stream.linear.scatter [tilespmem:s24], [sflag:$0x4], $0x80, $0x38;
	[tilespmem:$0xE800] =	vst v63  }
.Ltmp6:
0x14e: {  	s24 =	sadd.s32 $0xC8A8, s25;
	s26 =	sadd.s32 $0x50, s23;
	(pc) =	sbr.rel @p0 .LBB2_13-.Ltmp6, $4  }
0x14f: {  	[hbm4b:s26+s3] =	stream.linear.scatter [tilespmem:s24], [sflag:$0x4], $0x80, $0x38;
	[tilespmem:$0xE800] =	vst v63  }
0x150: {  	s24 =	sadd.s32 $0xC930, s25;
	s26 =	sadd.s32 $0x60, s23;
	s25 =	sadd.s32 $0xC9B8, s25  }
0x151: {  	[hbm4b:s26+s3] =	stream.linear.scatter [tilespmem:s24], [sflag:$0x4], $0x80, $0x38;
	[tilespmem:$0xE800] =	vst v63  }
0x152: {  	s26 =	sadd.s32 $0x70, s23;
	s23 =	sadd.s32 $0x4000, s23;
	s24 =	smov.u32 s28  }
0x153: {  	[hbm4b:s26+s3] =	stream.linear.scatter [tilespmem:s25], [sflag:$0x4], $0x80, $0x38;
	[tilespmem:$0xE800] =	vst v63  }
0x154: {  	s24 =	sadd.s32 $0xC600, s22  }
0x155: {  	[hbm4b:s23+s3] =	stream.linear.scatter [tilespmem:s24], [sflag:$0x4], $0x80, $0x38;
	[tilespmem:$0xE800] =	vst v63  }
0x156: {  	s30 =	sadd.s32 $0xC688, s22;
	s31 =	sadd.s32 $0x10, s23  }
0x157: {  	[hbm4b:s31+s3] =	stream.linear.scatter [tilespmem:s30], [sflag:$0x4], $0x80, $0x38;
	[tilespmem:$0xE800] =	vst v63  }
0x158: {  	s25 =	sadd.s32 $0xC710, s22;
	s26 =	sadd.s32 $0x20, s23  }
0x159: {  	[hbm4b:s26+s3] =	stream.linear.scatter [tilespmem:s25], [sflag:$0x4], $0x80, $0x38;
	[tilespmem:$0xE800] =	vst v63  }
0x15a: {  	s28 =	sadd.s32 $0xC798, s22;
	s29 =	sadd.s32 $0x30, s23  }
0x15b: {  	[hbm4b:s29+s3] =	stream.linear.scatter [tilespmem:s28], [sflag:$0x4], $0x80, $0x38;
	[tilespmem:$0xE800] =	vst v63  }
0x15c: {  	s21 =	sadd.s32 $0x1, s21;
	s30 =	sadd.s32 $0xC820, s22;
	s31 =	sadd.s32 $0x40, s23  }
0x15d: {  	[hbm4b:s31+s3] =	stream.linear.scatter [tilespmem:s30], [sflag:$0x4], $0x80, $0x38;
	[tilespmem:$0xE800] =	vst v63  }
0x15e: {  	p0 =	sne.s32 s21, $0x64;
	s25 =	sadd.s32 $0xC8A8, s22;
	s26 =	sadd.s32 $0x50, s23  }
0x15f: {  	[hbm4b:s26+s3] =	stream.linear.scatter [tilespmem:s25], [sflag:$0x4], $0x80, $0x38;
	[tilespmem:$0xE800] =	vst v63  }
.Ltmp7:
0x160: {  	_ = 	snop;
	(pc) =	sbr.rel @p0 .LBB2_2-.Ltmp7, $4  }
0x161: {  	s28 =	sadd.s32 $0xC930, s22;
	s29 =	sadd.s32 $0x60, s23  }
0x162: {  	[hbm4b:s29+s3] =	stream.linear.scatter [tilespmem:s28], [sflag:$0x4], $0x80, $0x38;
	[tilespmem:$0xE800] =	vst v63  }
0x163: {  	s30 =	sadd.s32 $0xC9B8, s22;
	s31 =	sadd.s32 $0x70, s23  }
0x164: {  	[hbm4b:s31+s3] =	stream.linear.scatter [tilespmem:s30], [sflag:$0x4], $0x80, $0x38;
	[tilespmem:$0xE800] =	vst v63  }
0x165: {  	s20 =	sadd.s32 $0x1, s20  }
0x166: {  	_ =	swait.ge [sflag:s19], $0x2000;
	p0 =	sne.s32 s20, s7  }
.Ltmp8:
0x167: {  	[sflag:s19] =	ssyncset.done $0x0;
	(pc) =	sbr.rel @p0 .LBB2_1-.Ltmp8, $4  }
0x168: {  	[sflag:s19] =	ssyncadd.s32 $0xFFFFE000  }
0x169: {  	_ =	swait.ge [sflag:s17], $0x2000  }
0x16a: {  	[sflag:s17] =	ssyncset.done $0x0  }
0x16b: {  	[sflag:s17] =	ssyncadd.s32 $0xFFFFE000  }
0x16c: {  	_ =	sfence.sel $0x180000  }
0x16d: {  	[bflag:$0x0] =	sbarrier.arrive $0xFFFF  }
0x16e: {  	p0 =	sne.s32 s0, $0x0;
	_ =	strace $0x90000047  }
0x16f: {  	s0 =	sadd.s32 @!p0 $0x100000, s1;
	[bflag:$0x2] =	sbarrier.arrive $0xFFFF  }
0x170: {  	[sflag:s0] =	ssyncadd.tile.s32 @!p0 $0x1;
	_ =	shalt  }
.Lfunc_end2:
_tile_overlayer_lowered:
.L_overlay_start_2:
0x171: {  	(tag) =	ssettag $0x2  }
0x172: {  	s0 =	rddreg [dreg:$0x0];
	s2 =	stileid.u32  }
0x173: {  	s1 =	rddreg [dreg:$0x1];
	p0 =	sne.s32 s2, $0x0  }
0x174: {  	s3 =	rddreg [dreg:$0x2];
	[bflag:$0x3] =	sbarrier.arrive $0xFFFF;
	s2 =	simm.s32 @!p0 $0x1C05  }
0x175: {  	[timem:s3], [sflag:s2] =	dma.local @!p0 [hbm:s0], s1  }
0x176: {  	s0 =	simm.s32 @!p0 $0x5  }
0x177: {  	_ =	swait.ge @!p0 [sflag:s0], s1  }
0x178: {  	s1 =	ssub.s32 @!p0 $0x0, s1;
	[sflag:s0] =	ssyncset.done @!p0 $0x0  }
0x179: {  	[sflag:s0] =	ssyncadd.s32 @!p0 s1  }
0x17a: {  	[bflag:$0x3] =	sbarrier.arrive $0xFFFF  }
0x17b: {  	_ =	shalt  }

</sc_bundles>
